<compile_context>
chip_gen: v7x
topology: tpu7x:2x2x1
jax: 0.10.2.dev20260603
libtpu: 0.0.44.dev20260713+nightly
codegen_flags: <defaults>
</compile_context>

<pallas_src>
import functools

import jax
import jax.numpy as jnp
import numpy as np
from jax import lax
from jax.experimental import pallas as pl
from jax.experimental.pallas import tpu as pltpu
from jax.experimental.pallas import tpu_sc as plsc

_CORRUPTION_RATE = 0.6

_NC = 2
_NS = 16
_NW = _NC * _NS

_ROWS_PER_STEP = 64
_GATHER_GROUP = 16

_plan_cache = {}


def _gather_indices(N, F):
    if (N, F) in _plan_cache:
        return _plan_cache[(N, F)]
    key = jax.random.key(42)
    kmask, kperm = jax.random.split(key)
    mask = jax.random.uniform(kmask, (F,)) < _CORRUPTION_RATE
    u = jax.random.uniform(kperm, (F, N))
    perm = jnp.argsort(u, axis=1).astype(jnp.int32)
    iota = lax.broadcasted_iota(jnp.int32, (F, N), 1)
    src = jnp.where(mask[:, None], perm, iota)
    gidx = src.T * np.int32(F) + jnp.arange(F, dtype=jnp.int32)[None, :]
    try:
        gidx = np.asarray(gidx, dtype=np.int32)
        _plan_cache[(N, F)] = gidx
    except Exception:
        pass
    return gidx


@functools.lru_cache(maxsize=None)
def _make_gather(N, F):
    assert N % (_NW * _ROWS_PER_STEP) == 0 and F % 8 == 0
    rows_per_worker = N // _NW
    steps = rows_per_worker // _ROWS_PER_STEP
    groups = _ROWS_PER_STEP // _GATHER_GROUP
    mesh = plsc.VectorSubcoreMesh(core_axis_name="c", subcore_axis_name="s")

    @functools.partial(
        pl.kernel,
        out_type=jax.ShapeDtypeStruct((N, F), jnp.float32),
        mesh=mesh,
        scratch_types=[
            pltpu.VMEM((_ROWS_PER_STEP, F), jnp.int32),
            pltpu.VMEM((_ROWS_PER_STEP, F), jnp.float32),
            pltpu.SemaphoreType.DMA,
        ],
    )
    def gather(x_hbm, gidx_hbm, out_hbm, idx_v, val_v, sem):
        wid = lax.axis_index("s") * _NC + lax.axis_index("c")
        base_row = wid * rows_per_worker

        def step(s, carry):
            r0 = base_row + s * _ROWS_PER_STEP
            pltpu.sync_copy(gidx_hbm.at[pl.ds(r0, _ROWS_PER_STEP)], idx_v)

            def group(g, c):
                cps = []
                for j in range(_GATHER_GROUP):
                    row = g * _GATHER_GROUP + j
                    cps.append(
                        pltpu.async_copy(x_hbm.at[idx_v.at[row]],
                                         val_v.at[row], sem))
                for cp in cps:
                    cp.wait()
                return c

            lax.fori_loop(0, groups, group, 0)
            pltpu.sync_copy(val_v, out_hbm.at[pl.ds(r0, _ROWS_PER_STEP)])
            return carry

        lax.fori_loop(0, steps, step, 0)

    return gather


def kernel(x):
    B, S, F = x.shape
    N = B * S
    gidx = _gather_indices(N, F)
    out = _make_gather(N, F)(x.reshape(N * F), gidx)
    return out.reshape(B, S, F)

# --- scband reference (transcript-rebuilt; emitter-appended) ---
"""Pipeline reference for scband-scarfcorruption-39565238731499 (READ-ONLY COPY).

The authoritative reference and input builder live on the scoring server;
editing this copy changes nothing except your own understanding.
"""

import jax, jax.numpy as jnp
import numpy as np

CORRUPTION_RATE = 0.6

def setup_inputs(seed: int = 0) -> dict:
    key = jax.random.key(seed)
    x = jax.random.normal(key, (4096, 50, 128), dtype=jnp.float32)
    return {"x": x}

def reference(x):
    # SCARF corruption, strategy='random_swap', training mode.
    # For each feature selected by a Bernoulli(corruption_rate) mask, the
    # flattened (batch*seq) column of values is replaced by a random
    # permutation of itself (values swapped across samples).
    B, S, F = x.shape
    N = B * S
    key = jax.random.key(42)
    kmask, kperm = jax.random.split(key)
    # corruption_mask = torch.rand(num_features) < corruption_rate
    corruption_mask = jax.random.uniform(kmask, (F,)) < CORRUPTION_RATE
    x_flat = x.reshape(N, F)          # (N, F)
    x_cols = x_flat.T                 # (F, N): one row per feature column
    # Independent random permutation per feature via argsort of uniforms
    # (equivalent in distribution to torch.randperm per feature).
    u = jax.random.uniform(kperm, (F, N))
    perm = jnp.argsort(u, axis=1)     # (F, N) int32 permutations
    shuffled = jnp.take_along_axis(x_cols, perm, axis=1)  # gather per feature
    corrupted_cols = jnp.where(corruption_mask[:, None], shuffled, x_cols)
    return corrupted_cols.T.reshape(B, S, F)

if __name__ == "__main__":
    import jax
    _d = setup_inputs()
    print(jax.jit(kernel)(*tuple(_d.values())))

</pallas_src>

<mosaic_0001>
#map = affine_map<(d0, d1) -> (0)>
#map1 = affine_map<(d0, d1) -> (0, 0)>
module attributes {stable_mosaic.version = 14 : i64} {
  func.func @gather(%arg0: i32, %arg1: i32, %arg2: memref<26214400xf32, #tpu.memory_space<hbm>>, %arg3: memref<204800x128xi32, #tpu.memory_space<hbm>>, %arg4: memref<204800x128xf32, #tpu.memory_space<hbm>>, %arg5: memref<64x128xi32, #tpu.memory_space<vmem>>, %arg6: memref<64x128xf32, #tpu.memory_space<vmem>>, %arg7: memref<!tpu.dma_semaphore, #tpu.memory_space<semaphore_mem>>) attributes {dimension_semantics = [#tpu.dimension_semantics<core_parallel>, #tpu.dimension_semantics<subcore_parallel>], iteration_bounds = array<i64: 2, 16>, scalar_prefetch = 0 : i64, scratch_operands = 3 : i64, tpu.core_type = #tpu.core_type<sc_vector_subcore>, window_params = [{transform_indices = #map}, {transform_indices = #map1}, {transform_indices = #map1}]} {
    %mul3A = arith.constant 2 : i32
    %mul3A_0 = arith.muli %arg1, %mul3A : i32
    %add3A = arith.addi %mul3A_0, %arg0 : i32
    %mul3A_1 = arith.constant 6400 : i32
    %mul3A_2 = arith.muli %add3A, %mul3A_1 : i32
    %scan3A = arith.constant 0 : i32
    %scan3A_3 = arith.constant 0 : i32
    %scan3A_4 = arith.constant 100 : i32
    %scan3A_5 = arith.addi %scan3A_3, %scan3A_4 : i32
    %scan3A_6 = arith.constant 1 : i32
    scf.for %scan3A_8 = %scan3A_3 to %scan3A_5 step %scan3A_6  : i32 {
      %mul3A_9 = arith.constant 64 : i32
      %mul3A_10 = arith.muli %scan3A_8, %mul3A_9 : i32
      %add3A_11 = arith.addi %mul3A_2, %mul3A_10 : i32
      "tpu.region"() ({
        %run_scoped3A = tpu.sem_alloc : memref<!tpu.dma_semaphore, #tpu.memory_space<semaphore_mem>>
        %dma_start3A = arith.constant 0 : i32
        %dma_start3A_18 = tpu.memref_slice %arg3[%add3A_11, %dma_start3A] : memref<204800x128xi32, #tpu.memory_space<hbm>> -> memref<64x128xi32, #tpu.memory_space<hbm>>
        %dma_start3A_19 = arith.constant 0 : i32
        %dma_start3A_20 = tpu.memref_slice %arg3[%add3A_11, %dma_start3A_19] : memref<204800x128xi32, #tpu.memory_space<hbm>> -> memref<64x128xi32, #tpu.memory_space<hbm>>
        tpu.enqueue_dma source(%dma_start3A_20 : memref<64x128xi32, #tpu.memory_space<hbm>>) target(%arg5 : memref<64x128xi32, #tpu.memory_space<vmem>>) target_semaphore(%run_scoped3A : memref<!tpu.dma_semaphore, #tpu.memory_space<semaphore_mem>>)
        %dma_wait3A = arith.constant 0 : i32
        %dma_wait3A_21 = tpu.memref_slice %arg3[%add3A_11, %dma_wait3A] : memref<204800x128xi32, #tpu.memory_space<hbm>> -> memref<64x128xi32, #tpu.memory_space<hbm>>
        %dma_wait3A_22 = arith.constant 0 : i32
        %dma_wait3A_23 = tpu.memref_slice %arg3[%add3A_11, %dma_wait3A_22] : memref<204800x128xi32, #tpu.memory_space<hbm>> -> memref<64x128xi32, #tpu.memory_space<hbm>>
        tpu.wait_dma2 semaphore(%run_scoped3A : memref<!tpu.dma_semaphore, #tpu.memory_space<semaphore_mem>>) src(%dma_wait3A_23 : memref<64x128xi32, #tpu.memory_space<hbm>>) dst(%arg5 : memref<64x128xi32, #tpu.memory_space<vmem>>)
        tpu.yield
      }) : () -> ()
      %scan3A_12 = arith.constant 0 : i32
      %scan3A_13 = arith.constant 0 : i32
      %scan3A_14 = arith.constant 4 : i32
      %scan3A_15 = arith.addi %scan3A_13, %scan3A_14 : i32
      %scan3A_16 = arith.constant 1 : i32
      scf.for %scan3A_18 = %scan3A_13 to %scan3A_15 step %scan3A_16  : i32 {
        %mul3A_19 = arith.constant 16 : i32
        %mul3A_20 = arith.muli %scan3A_18, %mul3A_19 : i32
        %add3A_21 = arith.constant 0 : i32
        %add3A_22 = arith.addi %mul3A_20, %add3A_21 : i32
        %dma_start3A = arith.constant 0 : i32
        %dma_start3A_23 = tpu.memref_slice %arg6[%add3A_22, %dma_start3A] : memref<64x128xf32, #tpu.memory_space<vmem>> -> memref<1x128xf32, #tpu.memory_space<vmem>>
        %dma_start3A_24 = tpu.memref_squeeze %dma_start3A_23 : memref<1x128xf32, #tpu.memory_space<vmem>> -> memref<128xf32, #tpu.memory_space<vmem>>
        %dma_start3A_25 = arith.constant 0 : i32
        %dma_start3A_26 = tpu.memref_slice %arg5[%add3A_22, %dma_start3A_25] : memref<64x128xi32, #tpu.memory_space<vmem>> -> memref<1x128xi32, #tpu.memory_space<vmem>>
        %dma_start3A_27 = tpu.memref_squeeze %dma_start3A_26 : memref<1x128xi32, #tpu.memory_space<vmem>> -> memref<128xi32, #tpu.memory_space<vmem>>
        %dma_start3A_28 = arith.constant 0 : i32
        %dma_start3A_29 = tpu.memref_slice %arg2[%dma_start3A_28] : memref<26214400xf32, #tpu.memory_space<hbm>> -> memref<26214400xf32, #tpu.memory_space<hbm>>
        tpu.enqueue_indirect_dma source(%dma_start3A_29 : memref<26214400xf32, #tpu.memory_space<hbm>>) target(%dma_start3A_24 : memref<128xf32, #tpu.memory_space<vmem>>) offsets(%dma_start3A_27 : memref<128xi32, #tpu.memory_space<vmem>>) semaphore(%arg7 : memref<!tpu.dma_semaphore, #tpu.memory_space<semaphore_mem>>)
        %mul3A_30 = arith.constant 16 : i32
        %mul3A_31 = arith.muli %scan3A_18, %mul3A_30 : i32
        %add3A_32 = arith.constant 1 : i32
        %add3A_33 = arith.addi %mul3A_31, %add3A_32 : i32
        %dma_start3A_34 = arith.constant 0 : i32
        %dma_start3A_35 = tpu.memref_slice %arg6[%add3A_33, %dma_start3A_34] : memref<64x128xf32, #tpu.memory_space<vmem>> -> memref<1x128xf32, #tpu.memory_space<vmem>>
        %dma_start3A_36 = tpu.memref_squeeze %dma_start3A_35 : memref<1x128xf32, #tpu.memory_space<vmem>> -> memref<128xf32, #tpu.memory_space<vmem>>
        %dma_start3A_37 = arith.constant 0 : i32
        %dma_start3A_38 = tpu.memref_slice %arg5[%add3A_33, %dma_start3A_37] : memref<64x128xi32, #tpu.memory_space<vmem>> -> memref<1x128xi32, #tpu.memory_space<vmem>>
        %dma_start3A_39 = tpu.memref_squeeze %dma_start3A_38 : memref<1x128xi32, #tpu.memory_space<vmem>> -> memref<128xi32, #tpu.memory_space<vmem>>
        %dma_start3A_40 = arith.constant 0 : i32
        %dma_start3A_41 = tpu.memref_slice %arg2[%dma_start3A_40] : memref<26214400xf32, #tpu.memory_space<hbm>> -> memref<26214400xf32, #tpu.memory_space<hbm>>
        tpu.enqueue_indirect_dma source(%dma_start3A_41 : memref<26214400xf32, #tpu.memory_space<hbm>>) target(%dma_start3A_36 : memref<128xf32, #tpu.memory_space<vmem>>) offsets(%dma_start3A_39 : memref<128xi32, #tpu.memory_space<vmem>>) semaphore(%arg7 : memref<!tpu.dma_semaphore, #tpu.memory_space<semaphore_mem>>)
        %mul3A_42 = arith.constant 16 : i32
        %mul3A_43 = arith.muli %scan3A_18, %mul3A_42 : i32
        %add3A_44 = arith.constant 2 : i32
        %add3A_45 = arith.addi %mul3A_43, %add3A_44 : i32
        %dma_start3A_46 = arith.constant 0 : i32
        %dma_start3A_47 = tpu.memref_slice %arg6[%add3A_45, %dma_start3A_46] : memref<64x128xf32, #tpu.memory_space<vmem>> -> memref<1x128xf32, #tpu.memory_space<vmem>>
        %dma_start3A_48 = tpu.memref_squeeze %dma_start3A_47 : memref<1x128xf32, #tpu.memory_space<vmem>> -> memref<128xf32, #tpu.memory_space<vmem>>
        %dma_start3A_49 = arith.constant 0 : i32
        %dma_start3A_50 = tpu.memref_slice %arg5[%add3A_45, %dma_start3A_49] : memref<64x128xi32, #tpu.memory_space<vmem>> -> memref<1x128xi32, #tpu.memory_space<vmem>>
        %dma_start3A_51 = tpu.memref_squeeze %dma_start3A_50 : memref<1x128xi32, #tpu.memory_space<vmem>> -> memref<128xi32, #tpu.memory_space<vmem>>
        %dma_start3A_52 = arith.constant 0 : i32
        %dma_start3A_53 = tpu.memref_slice %arg2[%dma_start3A_52] : memref<26214400xf32, #tpu.memory_space<hbm>> -> memref<26214400xf32, #tpu.memory_space<hbm>>
        tpu.enqueue_indirect_dma source(%dma_start3A_53 : memref<26214400xf32, #tpu.memory_space<hbm>>) target(%dma_start3A_48 : memref<128xf32, #tpu.memory_space<vmem>>) offsets(%dma_start3A_51 : memref<128xi32, #tpu.memory_space<vmem>>) semaphore(%arg7 : memref<!tpu.dma_semaphore, #tpu.memory_space<semaphore_mem>>)
        %mul3A_54 = arith.constant 16 : i32
        %mul3A_55 = arith.muli %scan3A_18, %mul3A_54 : i32
        %add3A_56 = arith.constant 3 : i32
        %add3A_57 = arith.addi %mul3A_55, %add3A_56 : i32
        %dma_start3A_58 = arith.constant 0 : i32
        %dma_start3A_59 = tpu.memref_slice %arg6[%add3A_57, %dma_start3A_58] : memref<64x128xf32, #tpu.memory_space<vmem>> -> memref<1x128xf32, #tpu.memory_space<vmem>>
        %dma_start3A_60 = tpu.memref_squeeze %dma_start3A_59 : memref<1x128xf32, #tpu.memory_space<vmem>> -> memref<128xf32, #tpu.memory_space<vmem>>
        %dma_start3A_61 = arith.constant 0 : i32
        %dma_start3A_62 = tpu.memref_slice %arg5[%add3A_57, %dma_start3A_61] : memref<64x128xi32, #tpu.memory_space<vmem>> -> memref<1x128xi32, #tpu.memory_space<vmem>>
        %dma_start3A_63 = tpu.memref_squeeze %dma_start3A_62 : memref<1x128xi32, #tpu.memory_space<vmem>> -> memref<128xi32, #tpu.memory_space<vmem>>
        %dma_start3A_64 = arith.constant 0 : i32
        %dma_start3A_65 = tpu.memref_slice %arg2[%dma_start3A_64] : memref<26214400xf32, #tpu.memory_space<hbm>> -> memref<26214400xf32, #tpu.memory_space<hbm>>
        tpu.enqueue_indirect_dma source(%dma_start3A_65 : memref<26214400xf32, #tpu.memory_space<hbm>>) target(%dma_start3A_60 : memref<128xf32, #tpu.memory_space<vmem>>) offsets(%dma_start3A_63 : memref<128xi32, #tpu.memory_space<vmem>>) semaphore(%arg7 : memref<!tpu.dma_semaphore, #tpu.memory_space<semaphore_mem>>)
        %mul3A_66 = arith.constant 16 : i32
        %mul3A_67 = arith.muli %scan3A_18, %mul3A_66 : i32
        %add3A_68 = arith.constant 4 : i32
        %add3A_69 = arith.addi %mul3A_67, %add3A_68 : i32
        %dma_start3A_70 = arith.constant 0 : i32
        %dma_start3A_71 = tpu.memref_slice %arg6[%add3A_69, %dma_start3A_70] : memref<64x128xf32, #tpu.memory_space<vmem>> -> memref<1x128xf32, #tpu.memory_space<vmem>>
        %dma_start3A_72 = tpu.memref_squeeze %dma_start3A_71 : memref<1x128xf32, #tpu.memory_space<vmem>> -> memref<128xf32, #tpu.memory_space<vmem>>
        %dma_start3A_73 = arith.constant 0 : i32
        %dma_start3A_74 = tpu.memref_slice %arg5[%add3A_69, %dma_start3A_73] : memref<64x128xi32, #tpu.memory_space<vmem>> -> memref<1x128xi32, #tpu.memory_space<vmem>>
        %dma_start3A_75 = tpu.memref_squeeze %dma_start3A_74 : memref<1x128xi32, #tpu.memory_space<vmem>> -> memref<128xi32, #tpu.memory_space<vmem>>
        %dma_start3A_76 = arith.constant 0 : i32
        %dma_start3A_77 = tpu.memref_slice %arg2[%dma_start3A_76] : memref<26214400xf32, #tpu.memory_space<hbm>> -> memref<26214400xf32, #tpu.memory_space<hbm>>
        tpu.enqueue_indirect_dma source(%dma_start3A_77 : memref<26214400xf32, #tpu.memory_space<hbm>>) target(%dma_start3A_72 : memref<128xf32, #tpu.memory_space<vmem>>) offsets(%dma_start3A_75 : memref<128xi32, #tpu.memory_space<vmem>>) semaphore(%arg7 : memref<!tpu.dma_semaphore, #tpu.memory_space<semaphore_mem>>)
        %mul3A_78 = arith.constant 16 : i32
        %mul3A_79 = arith.muli %scan3A_18, %mul3A_78 : i32
        %add3A_80 = arith.constant 5 : i32
        %add3A_81 = arith.addi %mul3A_79, %add3A_80 : i32
        %dma_start3A_82 = arith.constant 0 : i32
        %dma_start3A_83 = tpu.memref_slice %arg6[%add3A_81, %dma_start3A_82] : memref<64x128xf32, #tpu.memory_space<vmem>> -> memref<1x128xf32, #tpu.memory_space<vmem>>
        %dma_start3A_84 = tpu.memref_squeeze %dma_start3A_83 : memref<1x128xf32, #tpu.memory_space<vmem>> -> memref<128xf32, #tpu.memory_space<vmem>>
        %dma_start3A_85 = arith.constant 0 : i32
        %dma_start3A_86 = tpu.memref_slice %arg5[%add3A_81, %dma_start3A_85] : memref<64x128xi32, #tpu.memory_space<vmem>> -> memref<1x128xi32, #tpu.memory_space<vmem>>
        %dma_start3A_87 = tpu.memref_squeeze %dma_start3A_86 : memref<1x128xi32, #tpu.memory_space<vmem>> -> memref<128xi32, #tpu.memory_space<vmem>>
        %dma_start3A_88 = arith.constant 0 : i32
        %dma_start3A_89 = tpu.memref_slice %arg2[%dma_start3A_88] : memref<26214400xf32, #tpu.memory_space<hbm>> -> memref<26214400xf32, #tpu.memory_space<hbm>>
        tpu.enqueue_indirect_dma source(%dma_start3A_89 : memref<26214400xf32, #tpu.memory_space<hbm>>) target(%dma_start3A_84 : memref<128xf32, #tpu.memory_space<vmem>>) offsets(%dma_start3A_87 : memref<128xi32, #tpu.memory_space<vmem>>) semaphore(%arg7 : memref<!tpu.dma_semaphore, #tpu.memory_space<semaphore_mem>>)
        %mul3A_90 = arith.constant 16 : i32
        %mul3A_91 = arith.muli %scan3A_18, %mul3A_90 : i32
        %add3A_92 = arith.constant 6 : i32
        %add3A_93 = arith.addi %mul3A_91, %add3A_92 : i32
        %dma_start3A_94 = arith.constant 0 : i32
        %dma_start3A_95 = tpu.memref_slice %arg6[%add3A_93, %dma_start3A_94] : memref<64x128xf32, #tpu.memory_space<vmem>> -> memref<1x128xf32, #tpu.memory_space<vmem>>
        %dma_start3A_96 = tpu.memref_squeeze %dma_start3A_95 : memref<1x128xf32, #tpu.memory_space<vmem>> -> memref<128xf32, #tpu.memory_space<vmem>>
        %dma_start3A_97 = arith.constant 0 : i32
        %dma_start3A_98 = tpu.memref_slice %arg5[%add3A_93, %dma_start3A_97] : memref<64x128xi32, #tpu.memory_space<vmem>> -> memref<1x128xi32, #tpu.memory_space<vmem>>
        %dma_start3A_99 = tpu.memref_squeeze %dma_start3A_98 : memref<1x128xi32, #tpu.memory_space<vmem>> -> memref<128xi32, #tpu.memory_space<vmem>>
        %dma_start3A_100 = arith.constant 0 : i32
        %dma_start3A_101 = tpu.memref_slice %arg2[%dma_start3A_100] : memref<26214400xf32, #tpu.memory_space<hbm>> -> memref<26214400xf32, #tpu.memory_space<hbm>>
        tpu.enqueue_indirect_dma source(%dma_start3A_101 : memref<26214400xf32, #tpu.memory_space<hbm>>) target(%dma_start3A_96 : memref<128xf32, #tpu.memory_space<vmem>>) offsets(%dma_start3A_99 : memref<128xi32, #tpu.memory_space<vmem>>) semaphore(%arg7 : memref<!tpu.dma_semaphore, #tpu.memory_space<semaphore_mem>>)
        %mul3A_102 = arith.constant 16 : i32
        %mul3A_103 = arith.muli %scan3A_18, %mul3A_102 : i32
        %add3A_104 = arith.constant 7 : i32
        %add3A_105 = arith.addi %mul3A_103, %add3A_104 : i32
        %dma_start3A_106 = arith.constant 0 : i32
        %dma_start3A_107 = tpu.memref_slice %arg6[%add3A_105, %dma_start3A_106] : memref<64x128xf32, #tpu.memory_space<vmem>> -> memref<1x128xf32, #tpu.memory_space<vmem>>
        %dma_start3A_108 = tpu.memref_squeeze %dma_start3A_107 : memref<1x128xf32, #tpu.memory_space<vmem>> -> memref<128xf32, #tpu.memory_space<vmem>>
        %dma_start3A_109 = arith.constant 0 : i32
        %dma_start3A_110 = tpu.memref_slice %arg5[%add3A_105, %dma_start3A_109] : memref<64x128xi32, #tpu.memory_space<vmem>> -> memref<1x128xi32, #tpu.memory_space<vmem>>
        %dma_start3A_111 = tpu.memref_squeeze %dma_start3A_110 : memref<1x128xi32, #tpu.memory_space<vmem>> -> memref<128xi32, #tpu.memory_space<vmem>>
        %dma_start3A_112 = arith.constant 0 : i32
        %dma_start3A_113 = tpu.memref_slice %arg2[%dma_start3A_112] : memref<26214400xf32, #tpu.memory_space<hbm>> -> memref<26214400xf32, #tpu.memory_space<hbm>>
        tpu.enqueue_indirect_dma source(%dma_start3A_113 : memref<26214400xf32, #tpu.memory_space<hbm>>) target(%dma_start3A_108 : memref<128xf32, #tpu.memory_space<vmem>>) offsets(%dma_start3A_111 : memref<128xi32, #tpu.memory_space<vmem>>) semaphore(%arg7 : memref<!tpu.dma_semaphore, #tpu.memory_space<semaphore_mem>>)
        %mul3A_114 = arith.constant 16 : i32
        %mul3A_115 = arith.muli %scan3A_18, %mul3A_114 : i32
        %add3A_116 = arith.constant 8 : i32
        %add3A_117 = arith.addi %mul3A_115, %add3A_116 : i32
        %dma_start3A_118 = arith.constant 0 : i32
        %dma_start3A_119 = tpu.memref_slice %arg6[%add3A_117, %dma_start3A_118] : memref<64x128xf32, #tpu.memory_space<vmem>> -> memref<1x128xf32, #tpu.memory_space<vmem>>
        %dma_start3A_120 = tpu.memref_squeeze %dma_start3A_119 : memref<1x128xf32, #tpu.memory_space<vmem>> -> memref<128xf32, #tpu.memory_space<vmem>>
        %dma_start3A_121 = arith.constant 0 : i32
        %dma_start3A_122 = tpu.memref_slice %arg5[%add3A_117, %dma_start3A_121] : memref<64x128xi32, #tpu.memory_space<vmem>> -> memref<1x128xi32, #tpu.memory_space<vmem>>
        %dma_start3A_123 = tpu.memref_squeeze %dma_start3A_122 : memref<1x128xi32, #tpu.memory_space<vmem>> -> memref<128xi32, #tpu.memory_space<vmem>>
        %dma_start3A_124 = arith.constant 0 : i32
        %dma_start3A_125 = tpu.memref_slice %arg2[%dma_start3A_124] : memref<26214400xf32, #tpu.memory_space<hbm>> -> memref<26214400xf32, #tpu.memory_space<hbm>>
        tpu.enqueue_indirect_dma source(%dma_start3A_125 : memref<26214400xf32, #tpu.memory_space<hbm>>) target(%dma_start3A_120 : memref<128xf32, #tpu.memory_space<vmem>>) offsets(%dma_start3A_123 : memref<128xi32, #tpu.memory_space<vmem>>) semaphore(%arg7 : memref<!tpu.dma_semaphore, #tpu.memory_space<semaphore_mem>>)
        %mul3A_126 = arith.constant 16 : i32
        %mul3A_127 = arith.muli %scan3A_18, %mul3A_126 : i32
        %add3A_128 = arith.constant 9 : i32
        %add3A_129 = arith.addi %mul3A_127, %add3A_128 : i32
        %dma_start3A_130 = arith.constant 0 : i32
        %dma_start3A_131 = tpu.memref_slice %arg6[%add3A_129, %dma_start3A_130] : memref<64x128xf32, #tpu.memory_space<vmem>> -> memref<1x128xf32, #tpu.memory_space<vmem>>
        %dma_start3A_132 = tpu.memref_squeeze %dma_start3A_131 : memref<1x128xf32, #tpu.memory_space<vmem>> -> memref<128xf32, #tpu.memory_space<vmem>>
        %dma_start3A_133 = arith.constant 0 : i32
        %dma_start3A_134 = tpu.memref_slice %arg5[%add3A_129, %dma_start3A_133] : memref<64x128xi32, #tpu.memory_space<vmem>> -> memref<1x128xi32, #tpu.memory_space<vmem>>
        %dma_start3A_135 = tpu.memref_squeeze %dma_start3A_134 : memref<1x128xi32, #tpu.memory_space<vmem>> -> memref<128xi32, #tpu.memory_space<vmem>>
        %dma_start3A_136 = arith.constant 0 : i32
        %dma_start3A_137 = tpu.memref_slice %arg2[%dma_start3A_136] : memref<26214400xf32, #tpu.memory_space<hbm>> -> memref<26214400xf32, #tpu.memory_space<hbm>>
        tpu.enqueue_indirect_dma source(%dma_start3A_137 : memref<26214400xf32, #tpu.memory_space<hbm>>) target(%dma_start3A_132 : memref<128xf32, #tpu.memory_space<vmem>>) offsets(%dma_start3A_135 : memref<128xi32, #tpu.memory_space<vmem>>) semaphore(%arg7 : memref<!tpu.dma_semaphore, #tpu.memory_space<semaphore_mem>>)
        %mul3A_138 = arith.constant 16 : i32
        %mul3A_139 = arith.muli %scan3A_18, %mul3A_138 : i32
        %add3A_140 = arith.constant 10 : i32
        %add3A_141 = arith.addi %mul3A_139, %add3A_140 : i32
        %dma_start3A_142 = arith.constant 0 : i32
        %dma_start3A_143 = tpu.memref_slice %arg6[%add3A_141, %dma_start3A_142] : memref<64x128xf32, #tpu.memory_space<vmem>> -> memref<1x128xf32, #tpu.memory_space<vmem>>
        %dma_start3A_144 = tpu.memref_squeeze %dma_start3A_143 : memref<1x128xf32, #tpu.memory_space<vmem>> -> memref<128xf32, #tpu.memory_space<vmem>>
        %dma_start3A_145 = arith.constant 0 : i32
        %dma_start3A_146 = tpu.memref_slice %arg5[%add3A_141, %dma_start3A_145] : memref<64x128xi32, #tpu.memory_space<vmem>> -> memref<1x128xi32, #tpu.memory_space<vmem>>
        %dma_start3A_147 = tpu.memref_squeeze %dma_start3A_146 : memref<1x128xi32, #tpu.memory_space<vmem>> -> memref<128xi32, #tpu.memory_space<vmem>>
        %dma_start3A_148 = arith.constant 0 : i32
        %dma_start3A_149 = tpu.memref_slice %arg2[%dma_start3A_148] : memref<26214400xf32, #tpu.memory_space<hbm>> -> memref<26214400xf32, #tpu.memory_space<hbm>>
        tpu.enqueue_indirect_dma source(%dma_start3A_149 : memref<26214400xf32, #tpu.memory_space<hbm>>) target(%dma_start3A_144 : memref<128xf32, #tpu.memory_space<vmem>>) offsets(%dma_start3A_147 : memref<128xi32, #tpu.memory_space<vmem>>) semaphore(%arg7 : memref<!tpu.dma_semaphore, #tpu.memory_space<semaphore_mem>>)
        %mul3A_150 = arith.constant 16 : i32
        %mul3A_151 = arith.muli %scan3A_18, %mul3A_150 : i32
        %add3A_152 = arith.constant 11 : i32
        %add3A_153 = arith.addi %mul3A_151, %add3A_152 : i32
        %dma_start3A_154 = arith.constant 0 : i32
        %dma_start3A_155 = tpu.memref_slice %arg6[%add3A_153, %dma_start3A_154] : memref<64x128xf32, #tpu.memory_space<vmem>> -> memref<1x128xf32, #tpu.memory_space<vmem>>
        %dma_start3A_156 = tpu.memref_squeeze %dma_start3A_155 : memref<1x128xf32, #tpu.memory_space<vmem>> -> memref<128xf32, #tpu.memory_space<vmem>>
        %dma_start3A_157 = arith.constant 0 : i32
        %dma_start3A_158 = tpu.memref_slice %arg5[%add3A_153, %dma_start3A_157] : memref<64x128xi32, #tpu.memory_space<vmem>> -> memref<1x128xi32, #tpu.memory_space<vmem>>
        %dma_start3A_159 = tpu.memref_squeeze %dma_start3A_158 : memref<1x128xi32, #tpu.memory_space<vmem>> -> memref<128xi32, #tpu.memory_space<vmem>>
        %dma_start3A_160 = arith.constant 0 : i32
        %dma_start3A_161 = tpu.memref_slice %arg2[%dma_start3A_160] : memref<26214400xf32, #tpu.memory_space<hbm>> -> memref<26214400xf32, #tpu.memory_space<hbm>>
        tpu.enqueue_indirect_dma source(%dma_start3A_161 : memref<26214400xf32, #tpu.memory_space<hbm>>) target(%dma_start3A_156 : memref<128xf32, #tpu.memory_space<vmem>>) offsets(%dma_start3A_159 : memref<128xi32, #tpu.memory_space<vmem>>) semaphore(%arg7 : memref<!tpu.dma_semaphore, #tpu.memory_space<semaphore_mem>>)
        %mul3A_162 = arith.constant 16 : i32
        %mul3A_163 = arith.muli %scan3A_18, %mul3A_162 : i32
        %add3A_164 = arith.constant 12 : i32
        %add3A_165 = arith.addi %mul3A_163, %add3A_164 : i32
        %dma_start3A_166 = arith.constant 0 : i32
        %dma_start3A_167 = tpu.memref_slice %arg6[%add3A_165, %dma_start3A_166] : memref<64x128xf32, #tpu.memory_space<vmem>> -> memref<1x128xf32, #tpu.memory_space<vmem>>
        %dma_start3A_168 = tpu.memref_squeeze %dma_start3A_167 : memref<1x128xf32, #tpu.memory_space<vmem>> -> memref<128xf32, #tpu.memory_space<vmem>>
        %dma_start3A_169 = arith.constant 0 : i32
        %dma_start3A_170 = tpu.memref_slice %arg5[%add3A_165, %dma_start3A_169] : memref<64x128xi32, #tpu.memory_space<vmem>> -> memref<1x128xi32, #tpu.memory_space<vmem>>
        %dma_start3A_171 = tpu.memref_squeeze %dma_start3A_170 : memref<1x128xi32, #tpu.memory_space<vmem>> -> memref<128xi32, #tpu.memory_space<vmem>>
        %dma_start3A_172 = arith.constant 0 : i32
        %dma_start3A_173 = tpu.memref_slice %arg2[%dma_start3A_172] : memref<26214400xf32, #tpu.memory_space<hbm>> -> memref<26214400xf32, #tpu.memory_space<hbm>>
        tpu.enqueue_indirect_dma source(%dma_start3A_173 : memref<26214400xf32, #tpu.memory_space<hbm>>) target(%dma_start3A_168 : memref<128xf32, #tpu.memory_space<vmem>>) offsets(%dma_start3A_171 : memref<128xi32, #tpu.memory_space<vmem>>) semaphore(%arg7 : memref<!tpu.dma_semaphore, #tpu.memory_space<semaphore_mem>>)
        %mul3A_174 = arith.constant 16 : i32
        %mul3A_175 = arith.muli %scan3A_18, %mul3A_174 : i32
        %add3A_176 = arith.constant 13 : i32
        %add3A_177 = arith.addi %mul3A_175, %add3A_176 : i32
        %dma_start3A_178 = arith.constant 0 : i32
        %dma_start3A_179 = tpu.memref_slice %arg6[%add3A_177, %dma_start3A_178] : memref<64x128xf32, #tpu.memory_space<vmem>> -> memref<1x128xf32, #tpu.memory_space<vmem>>
        %dma_start3A_180 = tpu.memref_squeeze %dma_start3A_179 : memref<1x128xf32, #tpu.memory_space<vmem>> -> memref<128xf32, #tpu.memory_space<vmem>>
        %dma_start3A_181 = arith.constant 0 : i32
        %dma_start3A_182 = tpu.memref_slice %arg5[%add3A_177, %dma_start3A_181] : memref<64x128xi32, #tpu.memory_space<vmem>> -> memref<1x128xi32, #tpu.memory_space<vmem>>
        %dma_start3A_183 = tpu.memref_squeeze %dma_start3A_182 : memref<1x128xi32, #tpu.memory_space<vmem>> -> memref<128xi32, #tpu.memory_space<vmem>>
        %dma_start3A_184 = arith.constant 0 : i32
        %dma_start3A_185 = tpu.memref_slice %arg2[%dma_start3A_184] : memref<26214400xf32, #tpu.memory_space<hbm>> -> memref<26214400xf32, #tpu.memory_space<hbm>>
        tpu.enqueue_indirect_dma source(%dma_start3A_185 : memref<26214400xf32, #tpu.memory_space<hbm>>) target(%dma_start3A_180 : memref<128xf32, #tpu.memory_space<vmem>>) offsets(%dma_start3A_183 : memref<128xi32, #tpu.memory_space<vmem>>) semaphore(%arg7 : memref<!tpu.dma_semaphore, #tpu.memory_space<semaphore_mem>>)
        %mul3A_186 = arith.constant 16 : i32
        %mul3A_187 = arith.muli %scan3A_18, %mul3A_186 : i32
        %add3A_188 = arith.constant 14 : i32
        %add3A_189 = arith.addi %mul3A_187, %add3A_188 : i32
        %dma_start3A_190 = arith.constant 0 : i32
        %dma_start3A_191 = tpu.memref_slice %arg6[%add3A_189, %dma_start3A_190] : memref<64x128xf32, #tpu.memory_space<vmem>> -> memref<1x128xf32, #tpu.memory_space<vmem>>
        %dma_start3A_192 = tpu.memref_squeeze %dma_start3A_191 : memref<1x128xf32, #tpu.memory_space<vmem>> -> memref<128xf32, #tpu.memory_space<vmem>>
        %dma_start3A_193 = arith.constant 0 : i32
        %dma_start3A_194 = tpu.memref_slice %arg5[%add3A_189, %dma_start3A_193] : memref<64x128xi32, #tpu.memory_space<vmem>> -> memref<1x128xi32, #tpu.memory_space<vmem>>
        %dma_start3A_195 = tpu.memref_squeeze %dma_start3A_194 : memref<1x128xi32, #tpu.memory_space<vmem>> -> memref<128xi32, #tpu.memory_space<vmem>>
        %dma_start3A_196 = arith.constant 0 : i32
        %dma_start3A_197 = tpu.memref_slice %arg2[%dma_start3A_196] : memref<26214400xf32, #tpu.memory_space<hbm>> -> memref<26214400xf32, #tpu.memory_space<hbm>>
        tpu.enqueue_indirect_dma source(%dma_start3A_197 : memref<26214400xf32, #tpu.memory_space<hbm>>) target(%dma_start3A_192 : memref<128xf32, #tpu.memory_space<vmem>>) offsets(%dma_start3A_195 : memref<128xi32, #tpu.memory_space<vmem>>) semaphore(%arg7 : memref<!tpu.dma_semaphore, #tpu.memory_space<semaphore_mem>>)
        %mul3A_198 = arith.constant 16 : i32
        %mul3A_199 = arith.muli %scan3A_18, %mul3A_198 : i32
        %add3A_200 = arith.constant 15 : i32
        %add3A_201 = arith.addi %mul3A_199, %add3A_200 : i32
        %dma_start3A_202 = arith.constant 0 : i32
        %dma_start3A_203 = tpu.memref_slice %arg6[%add3A_201, %dma_start3A_202] : memref<64x128xf32, #tpu.memory_space<vmem>> -> memref<1x128xf32, #tpu.memory_space<vmem>>
        %dma_start3A_204 = tpu.memref_squeeze %dma_start3A_203 : memref<1x128xf32, #tpu.memory_space<vmem>> -> memref<128xf32, #tpu.memory_space<vmem>>
        %dma_start3A_205 = arith.constant 0 : i32
        %dma_start3A_206 = tpu.memref_slice %arg5[%add3A_201, %dma_start3A_205] : memref<64x128xi32, #tpu.memory_space<vmem>> -> memref<1x128xi32, #tpu.memory_space<vmem>>
        %dma_start3A_207 = tpu.memref_squeeze %dma_start3A_206 : memref<1x128xi32, #tpu.memory_space<vmem>> -> memref<128xi32, #tpu.memory_space<vmem>>
        %dma_start3A_208 = arith.constant 0 : i32
        %dma_start3A_209 = tpu.memref_slice %arg2[%dma_start3A_208] : memref<26214400xf32, #tpu.memory_space<hbm>> -> memref<26214400xf32, #tpu.memory_space<hbm>>
        tpu.enqueue_indirect_dma source(%dma_start3A_209 : memref<26214400xf32, #tpu.memory_space<hbm>>) target(%dma_start3A_204 : memref<128xf32, #tpu.memory_space<vmem>>) offsets(%dma_start3A_207 : memref<128xi32, #tpu.memory_space<vmem>>) semaphore(%arg7 : memref<!tpu.dma_semaphore, #tpu.memory_space<semaphore_mem>>)
        %dma_wait3A = arith.constant 0 : i32
        %dma_wait3A_210 = tpu.memref_slice %arg6[%add3A_22, %dma_wait3A] : memref<64x128xf32, #tpu.memory_space<vmem>> -> memref<1x128xf32, #tpu.memory_space<vmem>>
        %dma_wait3A_211 = tpu.memref_squeeze %dma_wait3A_210 : memref<1x128xf32, #tpu.memory_space<vmem>> -> memref<128xf32, #tpu.memory_space<vmem>>
        %dma_wait3A_212 = arith.constant 0 : i32
        %dma_wait3A_213 = tpu.memref_slice %arg5[%add3A_22, %dma_wait3A_212] : memref<64x128xi32, #tpu.memory_space<vmem>> -> memref<1x128xi32, #tpu.memory_space<vmem>>
        %dma_wait3A_214 = tpu.memref_squeeze %dma_wait3A_213 : memref<1x128xi32, #tpu.memory_space<vmem>> -> memref<128xi32, #tpu.memory_space<vmem>>
        %dma_wait3A_215 = arith.constant 0 : i32
        %dma_wait3A_216 = tpu.memref_slice %arg2[%dma_wait3A_215] : memref<26214400xf32, #tpu.memory_space<hbm>> -> memref<26214400xf32, #tpu.memory_space<hbm>>
        tpu.wait_indirect_dma semaphore(%arg7 : memref<!tpu.dma_semaphore, #tpu.memory_space<semaphore_mem>>) src(%dma_wait3A_216 : memref<26214400xf32, #tpu.memory_space<hbm>>) dst(%dma_wait3A_211 : memref<128xf32, #tpu.memory_space<vmem>>)
        %dma_wait3A_217 = arith.constant 0 : i32
        %dma_wait3A_218 = tpu.memref_slice %arg6[%add3A_33, %dma_wait3A_217] : memref<64x128xf32, #tpu.memory_space<vmem>> -> memref<1x128xf32, #tpu.memory_space<vmem>>
        %dma_wait3A_219 = tpu.memref_squeeze %dma_wait3A_218 : memref<1x128xf32, #tpu.memory_space<vmem>> -> memref<128xf32, #tpu.memory_space<vmem>>
        %dma_wait3A_220 = arith.constant 0 : i32
        %dma_wait3A_221 = tpu.memref_slice %arg5[%add3A_33, %dma_wait3A_220] : memref<64x128xi32, #tpu.memory_space<vmem>> -> memref<1x128xi32, #tpu.memory_space<vmem>>
        %dma_wait3A_222 = tpu.memref_squeeze %dma_wait3A_221 : memref<1x128xi32, #tpu.memory_space<vmem>> -> memref<128xi32, #tpu.memory_space<vmem>>
        %dma_wait3A_223 = arith.constant 0 : i32
        %dma_wait3A_224 = tpu.memref_slice %arg2[%dma_wait3A_223] : memref<26214400xf32, #tpu.memory_space<hbm>> -> memref<26214400xf32, #tpu.memory_space<hbm>>
        tpu.wait_indirect_dma semaphore(%arg7 : memref<!tpu.dma_semaphore, #tpu.memory_space<semaphore_mem>>) src(%dma_wait3A_224 : memref<26214400xf32, #tpu.memory_space<hbm>>) dst(%dma_wait3A_219 : memref<128xf32, #tpu.memory_space<vmem>>)
        %dma_wait3A_225 = arith.constant 0 : i32
        %dma_wait3A_226 = tpu.memref_slice %arg6[%add3A_45, %dma_wait3A_225] : memref<64x128xf32, #tpu.memory_space<vmem>> -> memref<1x128xf32, #tpu.memory_space<vmem>>
        %dma_wait3A_227 = tpu.memref_squeeze %dma_wait3A_226 : memref<1x128xf32, #tpu.memory_space<vmem>> -> memref<128xf32, #tpu.memory_space<vmem>>
        %dma_wait3A_228 = arith.constant 0 : i32
        %dma_wait3A_229 = tpu.memref_slice %arg5[%add3A_45, %dma_wait3A_228] : memref<64x128xi32, #tpu.memory_space<vmem>> -> memref<1x128xi32, #tpu.memory_space<vmem>>
        %dma_wait3A_230 = tpu.memref_squeeze %dma_wait3A_229 : memref<1x128xi32, #tpu.memory_space<vmem>> -> memref<128xi32, #tpu.memory_space<vmem>>
        %dma_wait3A_231 = arith.constant 0 : i32
        %dma_wait3A_232 = tpu.memref_slice %arg2[%dma_wait3A_231] : memref<26214400xf32, #tpu.memory_space<hbm>> -> memref<26214400xf32, #tpu.memory_space<hbm>>
        tpu.wait_indirect_dma semaphore(%arg7 : memref<!tpu.dma_semaphore, #tpu.memory_space<semaphore_mem>>) src(%dma_wait3A_232 : memref<26214400xf32, #tpu.memory_space<hbm>>) dst(%dma_wait3A_227 : memref<128xf32, #tpu.memory_space<vmem>>)
        %dma_wait3A_233 = arith.constant 0 : i32
        %dma_wait3A_234 = tpu.memref_slice %arg6[%add3A_57, %dma_wait3A_233] : memref<64x128xf32, #tpu.memory_space<vmem>> -> memref<1x128xf32, #tpu.memory_space<vmem>>
        %dma_wait3A_235 = tpu.memref_squeeze %dma_wait3A_234 : memref<1x128xf32, #tpu.memory_space<vmem>> -> memref<128xf32, #tpu.memory_space<vmem>>
        %dma_wait3A_236 = arith.constant 0 : i32
        %dma_wait3A_237 = tpu.memref_slice %arg5[%add3A_57, %dma_wait3A_236] : memref<64x128xi32, #tpu.memory_space<vmem>> -> memref<1x128xi32, #tpu.memory_space<vmem>>
        %dma_wait3A_238 = tpu.memref_squeeze %dma_wait3A_237 : memref<1x128xi32, #tpu.memory_space<vmem>> -> memref<128xi32, #tpu.memory_space<vmem>>
        %dma_wait3A_239 = arith.constant 0 : i32
        %dma_wait3A_240 = tpu.memref_slice %arg2[%dma_wait3A_239] : memref<26214400xf32, #tpu.memory_space<hbm>> -> memref<26214400xf32, #tpu.memory_space<hbm>>
        tpu.wait_indirect_dma semaphore(%arg7 : memref<!tpu.dma_semaphore, #tpu.memory_space<semaphore_mem>>) src(%dma_wait3A_240 : memref<26214400xf32, #tpu.memory_space<hbm>>) dst(%dma_wait3A_235 : memref<128xf32, #tpu.memory_space<vmem>>)
        %dma_wait3A_241 = arith.constant 0 : i32
        %dma_wait3A_242 = tpu.memref_slice %arg6[%add3A_69, %dma_wait3A_241] : memref<64x128xf32, #tpu.memory_space<vmem>> -> memref<1x128xf32, #tpu.memory_space<vmem>>
        %dma_wait3A_243 = tpu.memref_squeeze %dma_wait3A_242 : memref<1x128xf32, #tpu.memory_space<vmem>> -> memref<128xf32, #tpu.memory_space<vmem>>
        %dma_wait3A_244 = arith.constant 0 : i32
        %dma_wait3A_245 = tpu.memref_slice %arg5[%add3A_69, %dma_wait3A_244] : memref<64x128xi32, #tpu.memory_space<vmem>> -> memref<1x128xi32, #tpu.memory_space<vmem>>
        %dma_wait3A_246 = tpu.memref_squeeze %dma_wait3A_245 : memref<1x128xi32, #tpu.memory_space<vmem>> -> memref<128xi32, #tpu.memory_space<vmem>>
        %dma_wait3A_247 = arith.constant 0 : i32
        %dma_wait3A_248 = tpu.memref_slice %arg2[%dma_wait3A_247] : memref<26214400xf32, #tpu.memory_space<hbm>> -> memref<26214400xf32, #tpu.memory_space<hbm>>
        tpu.wait_indirect_dma semaphore(%arg7 : memref<!tpu.dma_semaphore, #tpu.memory_space<semaphore_mem>>) src(%dma_wait3A_248 : memref<26214400xf32, #tpu.memory_space<hbm>>) dst(%dma_wait3A_243 : memref<128xf32, #tpu.memory_space<vmem>>)
        %dma_wait3A_249 = arith.constant 0 : i32
        %dma_wait3A_250 = tpu.memref_slice %arg6[%add3A_81, %dma_wait3A_249] : memref<64x128xf32, #tpu.memory_space<vmem>> -> memref<1x128xf32, #tpu.memory_space<vmem>>
        %dma_wait3A_251 = tpu.memref_squeeze %dma_wait3A_250 : memref<1x128xf32, #tpu.memory_space<vmem>> -> memref<128xf32, #tpu.memory_space<vmem>>
        %dma_wait3A_252 = arith.constant 0 : i32
        %dma_wait3A_253 = tpu.memref_slice %arg5[%add3A_81, %dma_wait3A_252] : memref<64x128xi32, #tpu.memory_space<vmem>> -> memref<1x128xi32, #tpu.memory_space<vmem>>
        %dma_wait3A_254 = tpu.memref_squeeze %dma_wait3A_253 : memref<1x128xi32, #tpu.memory_space<vmem>> -> memref<128xi32, #tpu.memory_space<vmem>>
        %dma_wait3A_255 = arith.constant 0 : i32
        %dma_wait3A_256 = tpu.memref_slice %arg2[%dma_wait3A_255] : memref<26214400xf32, #tpu.memory_space<hbm>> -> memref<26214400xf32, #tpu.memory_space<hbm>>
        tpu.wait_indirect_dma semaphore(%arg7 : memref<!tpu.dma_semaphore, #tpu.memory_space<semaphore_mem>>) src(%dma_wait3A_256 : memref<26214400xf32, #tpu.memory_space<hbm>>) dst(%dma_wait3A_251 : memref<128xf32, #tpu.memory_space<vmem>>)
        %dma_wait3A_257 = arith.constant 0 : i32
        %dma_wait3A_258 = tpu.memref_slice %arg6[%add3A_93, %dma_wait3A_257] : memref<64x128xf32, #tpu.memory_space<vmem>> -> memref<1x128xf32, #tpu.memory_space<vmem>>
        %dma_wait3A_259 = tpu.memref_squeeze %dma_wait3A_258 : memref<1x128xf32, #tpu.memory_space<vmem>> -> memref<128xf32, #tpu.memory_space<vmem>>
        %dma_wait3A_260 = arith.constant 0 : i32
        %dma_wait3A_261 = tpu.memref_slice %arg5[%add3A_93, %dma_wait3A_260] : memref<64x128xi32, #tpu.memory_space<vmem>> -> memref<1x128xi32, #tpu.memory_space<vmem>>
        %dma_wait3A_262 = tpu.memref_squeeze %dma_wait3A_261 : memref<1x128xi32, #tpu.memory_space<vmem>> -> memref<128xi32, #tpu.memory_space<vmem>>
        %dma_wait3A_263 = arith.constant 0 : i32
        %dma_wait3A_264 = tpu.memref_slice %arg2[%dma_wait3A_263] : memref<26214400xf32, #tpu.memory_space<hbm>> -> memref<26214400xf32, #tpu.memory_space<hbm>>
        tpu.wait_indirect_dma semaphore(%arg7 : memref<!tpu.dma_semaphore, #tpu.memory_space<semaphore_mem>>) src(%dma_wait3A_264 : memref<26214400xf32, #tpu.memory_space<hbm>>) dst(%dma_wait3A_259 : memref<128xf32, #tpu.memory_space<vmem>>)
        %dma_wait3A_265 = arith.constant 0 : i32
        %dma_wait3A_266 = tpu.memref_slice %arg6[%add3A_105, %dma_wait3A_265] : memref<64x128xf32, #tpu.memory_space<vmem>> -> memref<1x128xf32, #tpu.memory_space<vmem>>
        %dma_wait3A_267 = tpu.memref_squeeze %dma_wait3A_266 : memref<1x128xf32, #tpu.memory_space<vmem>> -> memref<128xf32, #tpu.memory_space<vmem>>
        %dma_wait3A_268 = arith.constant 0 : i32
        %dma_wait3A_269 = tpu.memref_slice %arg5[%add3A_105, %dma_wait3A_268] : memref<64x128xi32, #tpu.memory_space<vmem>> -> memref<1x128xi32, #tpu.memory_space<vmem>>
        %dma_wait3A_270 = tpu.memref_squeeze %dma_wait3A_269 : memref<1x128xi32, #tpu.memory_space<vmem>> -> memref<128xi32, #tpu.memory_space<vmem>>
        %dma_wait3A_271 = arith.constant 0 : i32
        %dma_wait3A_272 = tpu.memref_slice %arg2[%dma_wait3A_271] : memref<26214400xf32, #tpu.memory_space<hbm>> -> memref<26214400xf32, #tpu.memory_space<hbm>>
        tpu.wait_indirect_dma semaphore(%arg7 : memref<!tpu.dma_semaphore, #tpu.memory_space<semaphore_mem>>) src(%dma_wait3A_272 : memref<26214400xf32, #tpu.memory_space<hbm>>) dst(%dma_wait3A_267 : memref<128xf32, #tpu.memory_space<vmem>>)
        %dma_wait3A_273 = arith.constant 0 : i32
        %dma_wait3A_274 = tpu.memref_slice %arg6[%add3A_117, %dma_wait3A_273] : memref<64x128xf32, #tpu.memory_space<vmem>> -> memref<1x128xf32, #tpu.memory_space<vmem>>
        %dma_wait3A_275 = tpu.memref_squeeze %dma_wait3A_274 : memref<1x128xf32, #tpu.memory_space<vmem>> -> memref<128xf32, #tpu.memory_space<vmem>>
        %dma_wait3A_276 = arith.constant 0 : i32
        %dma_wait3A_277 = tpu.memref_slice %arg5[%add3A_117, %dma_wait3A_276] : memref<64x128xi32, #tpu.memory_space<vmem>> -> memref<1x128xi32, #tpu.memory_space<vmem>>
        %dma_wait3A_278 = tpu.memref_squeeze %dma_wait3A_277 : memref<1x128xi32, #tpu.memory_space<vmem>> -> memref<128xi32, #tpu.memory_space<vmem>>
        %dma_wait3A_279 = arith.constant 0 : i32
        %dma_wait3A_280 = tpu.memref_slice %arg2[%dma_wait3A_279] : memref<26214400xf32, #tpu.memory_space<hbm>> -> memref<26214400xf32, #tpu.memory_space<hbm>>
        tpu.wait_indirect_dma semaphore(%arg7 : memref<!tpu.dma_semaphore, #tpu.memory_space<semaphore_mem>>) src(%dma_wait3A_280 : memref<26214400xf32, #tpu.memory_space<hbm>>) dst(%dma_wait3A_275 : memref<128xf32, #tpu.memory_space<vmem>>)
        %dma_wait3A_281 = arith.constant 0 : i32
        %dma_wait3A_282 = tpu.memref_slice %arg6[%add3A_129, %dma_wait3A_281] : memref<64x128xf32, #tpu.memory_space<vmem>> -> memref<1x128xf32, #tpu.memory_space<vmem>>
        %dma_wait3A_283 = tpu.memref_squeeze %dma_wait3A_282 : memref<1x128xf32, #tpu.memory_space<vmem>> -> memref<128xf32, #tpu.memory_space<vmem>>
        %dma_wait3A_284 = arith.constant 0 : i32
        %dma_wait3A_285 = tpu.memref_slice %arg5[%add3A_129, %dma_wait3A_284] : memref<64x128xi32, #tpu.memory_space<vmem>> -> memref<1x128xi32, #tpu.memory_space<vmem>>
        %dma_wait3A_286 = tpu.memref_squeeze %dma_wait3A_285 : memref<1x128xi32, #tpu.memory_space<vmem>> -> memref<128xi32, #tpu.memory_space<vmem>>
        %dma_wait3A_287 = arith.constant 0 : i32
        %dma_wait3A_288 = tpu.memref_slice %arg2[%dma_wait3A_287] : memref<26214400xf32, #tpu.memory_space<hbm>> -> memref<26214400xf32, #tpu.memory_space<hbm>>
        tpu.wait_indirect_dma semaphore(%arg7 : memref<!tpu.dma_semaphore, #tpu.memory_space<semaphore_mem>>) src(%dma_wait3A_288 : memref<26214400xf32, #tpu.memory_space<hbm>>) dst(%dma_wait3A_283 : memref<128xf32, #tpu.memory_space<vmem>>)
        %dma_wait3A_289 = arith.constant 0 : i32
        %dma_wait3A_290 = tpu.memref_slice %arg6[%add3A_141, %dma_wait3A_289] : memref<64x128xf32, #tpu.memory_space<vmem>> -> memref<1x128xf32, #tpu.memory_space<vmem>>
        %dma_wait3A_291 = tpu.memref_squeeze %dma_wait3A_290 : memref<1x128xf32, #tpu.memory_space<vmem>> -> memref<128xf32, #tpu.memory_space<vmem>>
        %dma_wait3A_292 = arith.constant 0 : i32
        %dma_wait3A_293 = tpu.memref_slice %arg5[%add3A_141, %dma_wait3A_292] : memref<64x128xi32, #tpu.memory_space<vmem>> -> memref<1x128xi32, #tpu.memory_space<vmem>>
        %dma_wait3A_294 = tpu.memref_squeeze %dma_wait3A_293 : memref<1x128xi32, #tpu.memory_space<vmem>> -> memref<128xi32, #tpu.memory_space<vmem>>
        %dma_wait3A_295 = arith.constant 0 : i32
        %dma_wait3A_296 = tpu.memref_slice %arg2[%dma_wait3A_295] : memref<26214400xf32, #tpu.memory_space<hbm>> -> memref<26214400xf32, #tpu.memory_space<hbm>>
        tpu.wait_indirect_dma semaphore(%arg7 : memref<!tpu.dma_semaphore, #tpu.memory_space<semaphore_mem>>) src(%dma_wait3A_296 : memref<26214400xf32, #tpu.memory_space<hbm>>) dst(%dma_wait3A_291 : memref<128xf32, #tpu.memory_space<vmem>>)
        %dma_wait3A_297 = arith.constant 0 : i32
        %dma_wait3A_298 = tpu.memref_slice %arg6[%add3A_153, %dma_wait3A_297] : memref<64x128xf32, #tpu.memory_space<vmem>> -> memref<1x128xf32, #tpu.memory_space<vmem>>
        %dma_wait3A_299 = tpu.memref_squeeze %dma_wait3A_298 : memref<1x128xf32, #tpu.memory_space<vmem>> -> memref<128xf32, #tpu.memory_space<vmem>>
        %dma_wait3A_300 = arith.constant 0 : i32
        %dma_wait3A_301 = tpu.memref_slice %arg5[%add3A_153, %dma_wait3A_300] : memref<64x128xi32, #tpu.memory_space<vmem>> -> memref<1x128xi32, #tpu.memory_space<vmem>>
        %dma_wait3A_302 = tpu.memref_squeeze %dma_wait3A_301 : memref<1x128xi32, #tpu.memory_space<vmem>> -> memref<128xi32, #tpu.memory_space<vmem>>
        %dma_wait3A_303 = arith.constant 0 : i32
        %dma_wait3A_304 = tpu.memref_slice %arg2[%dma_wait3A_303] : memref<26214400xf32, #tpu.memory_space<hbm>> -> memref<26214400xf32, #tpu.memory_space<hbm>>
        tpu.wait_indirect_dma semaphore(%arg7 : memref<!tpu.dma_semaphore, #tpu.memory_space<semaphore_mem>>) src(%dma_wait3A_304 : memref<26214400xf32, #tpu.memory_space<hbm>>) dst(%dma_wait3A_299 : memref<128xf32, #tpu.memory_space<vmem>>)
        %dma_wait3A_305 = arith.constant 0 : i32
        %dma_wait3A_306 = tpu.memref_slice %arg6[%add3A_165, %dma_wait3A_305] : memref<64x128xf32, #tpu.memory_space<vmem>> -> memref<1x128xf32, #tpu.memory_space<vmem>>
        %dma_wait3A_307 = tpu.memref_squeeze %dma_wait3A_306 : memref<1x128xf32, #tpu.memory_space<vmem>> -> memref<128xf32, #tpu.memory_space<vmem>>
        %dma_wait3A_308 = arith.constant 0 : i32
        %dma_wait3A_309 = tpu.memref_slice %arg5[%add3A_165, %dma_wait3A_308] : memref<64x128xi32, #tpu.memory_space<vmem>> -> memref<1x128xi32, #tpu.memory_space<vmem>>
        %dma_wait3A_310 = tpu.memref_squeeze %dma_wait3A_309 : memref<1x128xi32, #tpu.memory_space<vmem>> -> memref<128xi32, #tpu.memory_space<vmem>>
        %dma_wait3A_311 = arith.constant 0 : i32
        %dma_wait3A_312 = tpu.memref_slice %arg2[%dma_wait3A_311] : memref<26214400xf32, #tpu.memory_space<hbm>> -> memref<26214400xf32, #tpu.memory_space<hbm>>
        tpu.wait_indirect_dma semaphore(%arg7 : memref<!tpu.dma_semaphore, #tpu.memory_space<semaphore_mem>>) src(%dma_wait3A_312 : memref<26214400xf32, #tpu.memory_space<hbm>>) dst(%dma_wait3A_307 : memref<128xf32, #tpu.memory_space<vmem>>)
        %dma_wait3A_313 = arith.constant 0 : i32
        %dma_wait3A_314 = tpu.memref_slice %arg6[%add3A_177, %dma_wait3A_313] : memref<64x128xf32, #tpu.memory_space<vmem>> -> memref<1x128xf32, #tpu.memory_space<vmem>>
        %dma_wait3A_315 = tpu.memref_squeeze %dma_wait3A_314 : memref<1x128xf32, #tpu.memory_space<vmem>> -> memref<128xf32, #tpu.memory_space<vmem>>
        %dma_wait3A_316 = arith.constant 0 : i32
        %dma_wait3A_317 = tpu.memref_slice %arg5[%add3A_177, %dma_wait3A_316] : memref<64x128xi32, #tpu.memory_space<vmem>> -> memref<1x128xi32, #tpu.memory_space<vmem>>
        %dma_wait3A_318 = tpu.memref_squeeze %dma_wait3A_317 : memref<1x128xi32, #tpu.memory_space<vmem>> -> memref<128xi32, #tpu.memory_space<vmem>>
        %dma_wait3A_319 = arith.constant 0 : i32
        %dma_wait3A_320 = tpu.memref_slice %arg2[%dma_wait3A_319] : memref<26214400xf32, #tpu.memory_space<hbm>> -> memref<26214400xf32, #tpu.memory_space<hbm>>
        tpu.wait_indirect_dma semaphore(%arg7 : memref<!tpu.dma_semaphore, #tpu.memory_space<semaphore_mem>>) src(%dma_wait3A_320 : memref<26214400xf32, #tpu.memory_space<hbm>>) dst(%dma_wait3A_315 : memref<128xf32, #tpu.memory_space<vmem>>)
        %dma_wait3A_321 = arith.constant 0 : i32
        %dma_wait3A_322 = tpu.memref_slice %arg6[%add3A_189, %dma_wait3A_321] : memref<64x128xf32, #tpu.memory_space<vmem>> -> memref<1x128xf32, #tpu.memory_space<vmem>>
        %dma_wait3A_323 = tpu.memref_squeeze %dma_wait3A_322 : memref<1x128xf32, #tpu.memory_space<vmem>> -> memref<128xf32, #tpu.memory_space<vmem>>
        %dma_wait3A_324 = arith.constant 0 : i32
        %dma_wait3A_325 = tpu.memref_slice %arg5[%add3A_189, %dma_wait3A_324] : memref<64x128xi32, #tpu.memory_space<vmem>> -> memref<1x128xi32, #tpu.memory_space<vmem>>
        %dma_wait3A_326 = tpu.memref_squeeze %dma_wait3A_325 : memref<1x128xi32, #tpu.memory_space<vmem>> -> memref<128xi32, #tpu.memory_space<vmem>>
        %dma_wait3A_327 = arith.constant 0 : i32
        %dma_wait3A_328 = tpu.memref_slice %arg2[%dma_wait3A_327] : memref<26214400xf32, #tpu.memory_space<hbm>> -> memref<26214400xf32, #tpu.memory_space<hbm>>
        tpu.wait_indirect_dma semaphore(%arg7 : memref<!tpu.dma_semaphore, #tpu.memory_space<semaphore_mem>>) src(%dma_wait3A_328 : memref<26214400xf32, #tpu.memory_space<hbm>>) dst(%dma_wait3A_323 : memref<128xf32, #tpu.memory_space<vmem>>)
        %dma_wait3A_329 = arith.constant 0 : i32
        %dma_wait3A_330 = tpu.memref_slice %arg6[%add3A_201, %dma_wait3A_329] : memref<64x128xf32, #tpu.memory_space<vmem>> -> memref<1x128xf32, #tpu.memory_space<vmem>>
        %dma_wait3A_331 = tpu.memref_squeeze %dma_wait3A_330 : memref<1x128xf32, #tpu.memory_space<vmem>> -> memref<128xf32, #tpu.memory_space<vmem>>
        %dma_wait3A_332 = arith.constant 0 : i32
        %dma_wait3A_333 = tpu.memref_slice %arg5[%add3A_201, %dma_wait3A_332] : memref<64x128xi32, #tpu.memory_space<vmem>> -> memref<1x128xi32, #tpu.memory_space<vmem>>
        %dma_wait3A_334 = tpu.memref_squeeze %dma_wait3A_333 : memref<1x128xi32, #tpu.memory_space<vmem>> -> memref<128xi32, #tpu.memory_space<vmem>>
        %dma_wait3A_335 = arith.constant 0 : i32
        %dma_wait3A_336 = tpu.memref_slice %arg2[%dma_wait3A_335] : memref<26214400xf32, #tpu.memory_space<hbm>> -> memref<26214400xf32, #tpu.memory_space<hbm>>
        tpu.wait_indirect_dma semaphore(%arg7 : memref<!tpu.dma_semaphore, #tpu.memory_space<semaphore_mem>>) src(%dma_wait3A_336 : memref<26214400xf32, #tpu.memory_space<hbm>>) dst(%dma_wait3A_331 : memref<128xf32, #tpu.memory_space<vmem>>)
      }
      %scan3A_17 = arith.constant 4 : i32
      "tpu.region"() ({
        %run_scoped3A = tpu.sem_alloc : memref<!tpu.dma_semaphore, #tpu.memory_space<semaphore_mem>>
        %dma_start3A = arith.constant 0 : i32
        %dma_start3A_18 = tpu.memref_slice %arg4[%add3A_11, %dma_start3A] : memref<204800x128xf32, #tpu.memory_space<hbm>> -> memref<64x128xf32, #tpu.memory_space<hbm>>
        %dma_start3A_19 = arith.constant 0 : i32
        %dma_start3A_20 = tpu.memref_slice %arg4[%add3A_11, %dma_start3A_19] : memref<204800x128xf32, #tpu.memory_space<hbm>> -> memref<64x128xf32, #tpu.memory_space<hbm>>
        tpu.enqueue_dma source(%arg6 : memref<64x128xf32, #tpu.memory_space<vmem>>) target(%dma_start3A_20 : memref<64x128xf32, #tpu.memory_space<hbm>>) target_semaphore(%run_scoped3A : memref<!tpu.dma_semaphore, #tpu.memory_space<semaphore_mem>>)
        %dma_wait3A = arith.constant 0 : i32
        %dma_wait3A_21 = tpu.memref_slice %arg4[%add3A_11, %dma_wait3A] : memref<204800x128xf32, #tpu.memory_space<hbm>> -> memref<64x128xf32, #tpu.memory_space<hbm>>
        %dma_wait3A_22 = arith.constant 0 : i32
        %dma_wait3A_23 = tpu.memref_slice %arg4[%add3A_11, %dma_wait3A_22] : memref<204800x128xf32, #tpu.memory_space<hbm>> -> memref<64x128xf32, #tpu.memory_space<hbm>>
        tpu.wait_dma2 semaphore(%run_scoped3A : memref<!tpu.dma_semaphore, #tpu.memory_space<semaphore_mem>>) src(%arg6 : memref<64x128xf32, #tpu.memory_space<vmem>>) dst(%dma_wait3A_23 : memref<64x128xf32, #tpu.memory_space<hbm>>)
        tpu.yield
      }) : () -> ()
    }
    %scan3A_7 = arith.constant 100 : i32
    return
  }
}

</mosaic_0001>

<sc_bundles>
// kernel: kernel.3.cloned.1.call-start
scs
__scs_entry_jumppad:
0x0: {  	(pc) =	sbr.rel $0x88, $3  }
0x1: {  	(tag) =	ssettag $0x0;
	lr =	simm.s32 $0x1  }
0x2: {  	[smem:$0x3FA0] =	sst lr;
	_ =	strace $0xD0000000  }
0x3: {  	_ = 	snop  }
0x4: {  	_ = 	snop  }
0x5: {  	_ = 	snop  }
0x6: {  	_ = 	snop  }
0x7: {  	_ = 	snop  }
__scs_overlays_trampoline_lowered:
0x8: {  	[smem:$0x3FAF] =	sst s0  }
0x9: {  	[smem:$0x3FB0] =	sst s1  }
0xa: {  	[smem:$0x3FB1] =	sst s2  }
0xb: {  	[smem:$0x3FB2] =	sst s3  }
0xc: {  	[smem:$0x3FB3] =	sst s4  }
0xd: {  	[smem:$0x3FB4] =	sst s5  }
0xe: {  	[smem:$0x3FB5] =	sst s6  }
0xf: {  	[smem:$0x3FB6] =	sst s7  }
0x10: {  	[smem:$0x3FB7] =	sst s8  }
0x11: {  	[smem:$0x3FB8] =	sst s9;
	s0 =	simm.s32 @!p0 $0x0  }
0x12: {  	s1 =	sld [smem:$0x3F9E];
	s0 =	simm.s32 @p0 $0x1  }
0x13: {  	[smem:$0x3FB9] =	sst s0;
	s0 =	simm.s32 @!p1 $0x0  }
0x14: {  	s2 =	sld [smem:$0x3F9D];
	s0 =	simm.s32 @p1 $0x1  }
0x15: {  	[smem:$0x3FBA] =	sst s0;
	s0 =	simm.s32 @!p2 $0x0  }
0x16: {  	s3 =	sld [smem:$0x3FDB];
	s0 =	simm.s32 @p2 $0x1  }
0x17: {  	s4 =	simm.s32 $0x1BF5;
	[smem:$0x3FBC] =	sst s0  }
0x18: {  	s0 =	sld [smem:$0x3F9F];
	_ =	swait.ge [sflag:s4], $0x0  }
0x19: {  	s7 =	sld [smem:$0x3FA0]  }
0x1a: {  	s8 =	sadd.s32 $0xFFFFE003, lr  }
0x1b: {  	s9 =	sadd.s32 $0xFFFFFEF7, lr;
	s5 =	simm.s32 $0xFFFFFFFF;
	p2 =	slt.u32 s8, $0xFFFFF086  }
0x1c: {  	p1 =	slt.u32 s9, $0xF7A;
	s5 =	simm.s32 @!p2 $0x0  }
0x1d: {  	s5 =	simm.s32 @p1 $0x1;
	p0 =	seq.s32 s7, s2  }
0x1e: {  	s7 =	smul.u32 @!p0 $0xF7A, s2;
	p2 =	seq.s32 @!p0 s5, $0x0  }
0x1f: {  	s9 =	smul.u32 $0xF7A, s1;
	s8 =	simm.s32 @!p0 $0x1BF5;
	p2 =	por !p2, p0  }
0x20: {  	[sflag:s8] =	ssyncset.s32 @!p0 $0xFFFFF086;
	s6 =	sadd.s32 @!p0 s3, s7;
	s7 =	simm.s32 @!p0 $0x108  }
0x21: {  	s3 =	sadd.s32 s3, s9;
	s6 =	sadd.s32 @!p0 $0x88, s6;
	s7 =	simm.s32 @p2 $0x1082  }
0x22: {  	[simem:s7], [sflag:s8] =	dma.local @!p0 [hbm:s6], $0xF7A  }
0x23: {  	s9 =	sor.u32 $0xD0000000, s2;
	s6 =	simm.s32 $0x108;
	_ =	swait.ge @!p0 [sflag:s8], $0x0  }
0x24: {  	s3 =	sadd.s32 $0x88, s3;
	s6 =	simm.s32 @!p1 $0x1082;
	[sflag:s4] =	ssyncset.s32 $0xFFFFF086  }
0x25: {  	[simem:s6], [sflag:s4] =	dma.local [hbm:s3], $0xF7A  }
0x26: {  	[smem:$0x3FA0] =	sst s1;
	(tag) =	ssettag s2;
	_ =	strace s9  }
0x27: {  	s1 =	sld [smem:$0x3FB0]  }
0x28: {  	s2 =	sld [smem:$0x3FB1]  }
0x29: {  	s4 =	sld [smem:$0x3FB3]  }
0x2a: {  	p0 =	seq.s32 s5, $0x0;
	s5 =	sld [smem:$0x3FB4]  }
0x2b: {  	s6 =	sld [smem:$0x3FB5]  }
0x2c: {  	s7 =	sld [smem:$0x3FB6]  }
0x2d: {  	s3 =	simm.s32 $0x108;
	s8 =	sld [smem:$0x3FB7]  }
0x2e: {  	s3 =	simm.s32 @!p0 $0x1082;
	s9 =	sld [smem:$0x3FB8]  }
0x2f: {  	lr =	sadd.s32 s0, s3;
	s0 =	sld [smem:$0x3FAF]  }
0x30: {  	s3 =	sld [smem:$0x3FB2]  }
0x31: {  	[smem:$0x3FBB] =	sst s10  }
0x32: {  	s10 =	sld [smem:$0x3FB9];
	_ =	sdelay $0x3  }
0x33: {  	p0 =	seq.s32 s10, $0x1;
	s10 =	sld [smem:$0x3FBB];
	_ =	sdelay $0x3  }
0x34: {  	[smem:$0x3FBB] =	sst s10  }
0x35: {  	s10 =	sld [smem:$0x3FBA];
	_ =	sdelay $0x3  }
0x36: {  	p1 =	seq.s32 s10, $0x1;
	s10 =	sld [smem:$0x3FBB];
	_ =	sdelay $0x3  }
0x37: {  	[smem:$0x3FBB] =	sst s10  }
0x38: {  	s10 =	sld [smem:$0x3FBC]  }
0x39: {  	_ = 	snop;
	(pc) =	sbr.ind lr, $3  }
0x3a: {  	_ = 	snop  }
0x3b: {  	_ = 	snop  }
0x3c: {  	p2 =	seq.s32 s10, $0x1;
	s10 =	sld [smem:$0x3FBB]  }
0x3d: {  	_ =	shalt  }
0x3e: {  	_ =	shalt  }
0x3f: {  	_ =	shalt  }
0x40: {  	_ =	shalt  }
0x41: {  	_ =	shalt  }
0x42: {  	_ =	shalt  }
0x43: {  	_ =	shalt  }
0x44: {  	_ =	shalt  }
0x45: {  	_ =	shalt  }
0x46: {  	_ =	shalt  }
0x47: {  	_ =	shalt  }
0x48: {  	_ =	shalt  }
0x49: {  	_ =	shalt  }
0x4a: {  	_ =	shalt  }
0x4b: {  	_ =	shalt  }
0x4c: {  	_ =	shalt  }
0x4d: {  	_ =	shalt  }
0x4e: {  	_ =	shalt  }
0x4f: {  	_ =	shalt  }
0x50: {  	_ =	shalt  }
0x51: {  	_ =	shalt  }
0x52: {  	_ =	shalt  }
0x53: {  	_ =	shalt  }
0x54: {  	_ =	shalt  }
0x55: {  	_ =	shalt  }
0x56: {  	_ =	shalt  }
0x57: {  	_ =	shalt  }
0x58: {  	_ =	shalt  }
0x59: {  	_ =	shalt  }
0x5a: {  	_ =	shalt  }
0x5b: {  	_ =	shalt  }
0x5c: {  	_ =	shalt  }
0x5d: {  	_ =	shalt  }
0x5e: {  	_ =	shalt  }
0x5f: {  	_ =	shalt  }
0x60: {  	_ =	shalt  }
0x61: {  	_ =	shalt  }
0x62: {  	_ =	shalt  }
0x63: {  	_ =	shalt  }
0x64: {  	_ =	shalt  }
0x65: {  	_ =	shalt  }
0x66: {  	_ =	shalt  }
0x67: {  	_ =	shalt  }
0x68: {  	_ =	shalt  }
0x69: {  	_ =	shalt  }
0x6a: {  	_ =	shalt  }
0x6b: {  	_ =	shalt  }
0x6c: {  	_ =	shalt  }
0x6d: {  	_ =	shalt  }
0x6e: {  	_ =	shalt  }
0x6f: {  	_ =	shalt  }
0x70: {  	_ =	shalt  }
0x71: {  	_ =	shalt  }
0x72: {  	_ =	shalt  }
0x73: {  	_ =	shalt  }
0x74: {  	_ =	shalt  }
0x75: {  	_ =	shalt  }
0x76: {  	_ =	shalt  }
0x77: {  	_ =	shalt  }
0x78: {  	_ =	shalt  }
0x79: {  	_ =	shalt  }
0x7a: {  	_ =	shalt  }
0x7b: {  	_ =	shalt  }
0x7c: {  	_ =	shalt  }
0x7d: {  	_ =	shalt  }
0x7e: {  	_ =	shalt  }
0x7f: {  	_ =	shalt  }
0x80: {  	_ =	shalt  }
0x81: {  	_ =	shalt  }
0x82: {  	_ =	shalt  }
0x83: {  	_ =	shalt  }
0x84: {  	_ =	shalt  }
0x85: {  	_ =	shalt  }
0x86: {  	_ =	shalt  }
0x87: {  	_ =	shalt  }
.Lfunc_end0:
.L_simem_size_0:
called_computation.2_lowered:
.L_overlay_start_0:
0x88: {  	s2 =	sld [smem:$0x3FD9]  }
0x89: {  	s3 =	sld [smem:$0x3FFE];
	_ =	sdelay $0x1  }
0x8a: {  	s1 =	srdreg.scid  }
0x8b: {  	s0 =	sand.u32 $0x1, s1  }
0x8c: {  	s17 =	sshll.u32 s0, $0xA;
	s2 =	sadd.s32 s3, s2  }
0x8d: {  	s2 =	sadd.s32 s2, s17  }
0x8e: {  	[smem:$0x3FC7] =	sst s2  }
0x8f: {  	_ = 	snop  }
0x90: {  	s2 =	sld [smem:$0x3FD0];
	(tm) =	ssettm $0x1  }
0x91: {  	s18 =	sld [smem:$0x3FFB];
	_ =	sdelay $0x3  }
0x92: {  	_ =	strace s18  }
0x93: {  	s3 =	sld [smem:$0x3FFC];
	_ =	sdelay $0x3  }
0x94: {  	_ =	strace s3  }
0x95: {  	s3 =	sld [smem:$0x3FFD];
	_ =	sdelay $0x3  }
0x96: {  	_ =	strace s3  }
0x97: {  	_ =	strace $0x8FFFFFFF  }
0x98: {  	s19 =	sld [smem:$0x3FDB];
	_ =	sdelay $0x1  }
0x99: {  	s4 =	simm.s32 $_scs_section_size  }
0x9a: {  	s5 =	simm.s32 $_size__tile_overlayer_lowered;
	s6 =	simm.s32 $_tile_overlayer_lowered  }
0x9b: {  	s22 =	simm.s32 $0x1BFF;
	s21 =	sshll.u32 s6, $0x1;
	s3 =	sadd.s32 s4, s19  }
0x9c: {  	s7 =	simm.s32 $0x0;
	s20 =	sshll.u32 s5, $0x1;
	s5 =	sadd.s32 s21, s3  }
0x9d: {  	[timem:s7], [sflag:s22] =	dma.local [hbm:s5], s20  }
0x9e: {  	_ =	swait.ge [sflag:s22], s20  }
0x9f: {  	s4 =	ssub.s32 $0x0, s20;
	[sflag:s22] =	ssyncset.done $0x0  }
0xa0: {  	[sflag:s22] =	ssyncadd.s32 s4;
	_ =	sdelay $0x1  }
0xa1: {  	s23 =	simm.s32 $0x1B8B  }
0xa2: {  	_ =	swait.ge [sflag:s23], $0x1  }
0xa3: {  	[sflag:s23] =	ssyncset.done $0x0  }
0xa4: {  	s25 =	simm.s32 $0x1B8E;
	s24 =	sld [smem:$0x3FFE];
	[sflag:s23] =	ssyncadd.s32 $0xFFFFFFFF  }
0xa5: {  	s26 =	simm.s32 $execute0_lowered;
	[smem:$0x3FD2] =	sst s25  }
0xa6: {  	s5 =	sshll.u32 s26, $0x1;
	_ =	strace $0x80000049;
	[dreg:$0x1] =	wrdreg $0xFFFFFFFF  }
0xa7: {  	s28 =	simm.s32 $_size_execute0_lowered;
	s3 =	sadd.s32 s3, s5;
	[dreg:$0x0] =	wrdreg $0x0  }
0xa8: {  	s5 =	sshll.u32 s28, $0x1;
	[dreg:$0x2] =	wrdreg s3  }
0xa9: {  	[dreg:$0x3] =	wrdreg s5  }
0xaa: {  	[dreg:$0x4] =	wrdreg $0xC0  }
0xab: {  	_ =	task [dreg:s7], $0x5FFFF  }
0xac: {  	[dreg:$0x1] =	wrdreg $0xFFFFFFFF  }
0xad: {  	[dreg:$0x0] =	wrdreg $0x60  }
0xae: {  	[dreg:$0x2] =	wrdreg s2  }
0xaf: {  	[dreg:$0x3] =	wrdreg s24  }
0xb0: {  	[dreg:$0x4] =	wrdreg $0x9  }
0xb1: {  	_ =	task.clear_ibuf [dreg:s7], $0x5FFFF;
	_ =	strace $0x90000049  }
0xb2: {  	s29 =	simm.s32 $0x9;
	_ =	strace $0x8000004B  }
0xb3: {  	_ =	swait.ge [sflag:s29], $0x1  }
0xb4: {  	[sflag:s29] =	ssyncadd.s32 $0xFFFFFFFF  }
0xb5: {  	_ =	strace $0x9000004B  }
0xb6: {  	_ =	sfence  }
0xb7: {  	s30 =	sld [smem:$0x0];
	_ =	sdelay $0x2  }
0xb8: {  	s31 =	sshll.u32 s1, $0xD;
	s1 =	sshrl.u32 s1, $0x2  }
0xb9: {  	s3 =	sand.u32 $0x4000, s31;
	s1 =	sadd.s32 s1, s30  }
0xba: {  	s0 =	sor.u32 s3, s0;
	s1 =	sshll.u32 s1, $0x11  }
0xbb: {  	s0 =	sor.u32 s1, s0  }
0xbc: {  	s0 =	sadd.s32 $0x8F2B, s0  }
0xbd: {  	[sflag:s0] =	ssyncadd.remote.s32 $0x1  }
0xbe: {  	_ =	sfence.sel $0xFFFF  }
0xbf: {  	[dreg:$0x0] =	wrdreg $0xFFFFFFFF;
	(pc) =	sbr.abs _section_cstart, $3  }
0xc0: {  	[dreg:$0x1] =	wrdreg $0xFFFFFFFF  }
0xc1: {  	_ =	task.clear_ibuf [dreg:s7], $0x2FFFF;
	_ =	strace $0x9FFFFFFF  }
0xc2: {  	(tm) =	ssettm $0x7FFFFFFF  }
0xc3: {  	_ =	shalt  }
tec
execute0_lowered:
.L_overlay_start_1:
0x0: {  	(tag) =	ssettag $0x1  }
0x1: {  	s1 =	srdreg.scid;
	s0 =	stileid.u32  }
0x2: {  	s1 =	sand.u32 $0x1, s1;
	s3 =	smul.u32 $0x190000, s0  }
0x3: {  	s4 =	smul.u32 $0xC8000, s1  }
0x4: {  	s2 =	rddreg [dreg:$0x0]  }
0x5: {  	s5 =	rddreg [dreg:$0x1];
	s4 =	sadd.s32 s4, s3;
	s3 =	simm.s32 $0x0  }
0x6: {  	s14 =	simm.s32 $0x2080;
	[smem:$0x7FF] =	sst s3  }
0x7: {  	s15 =	simm.s32 $0x100;
	_ =	strace $0x8000004A;
	[dreg:$0x4] =	wrdreg s14  }
0x8: {  	s16 =	simm.s32 $0x2100;
	[dreg:$0x5] =	wrdreg s15  }
0x9: {  	s17 =	simm.s32 $0x180;
	[dreg:$0x6] =	wrdreg s16  }
0xa: {  	s18 =	simm.s32 $0x2180;
	[dreg:$0x7] =	wrdreg s17  }
0xb: {  	s19 =	simm.s32 $0x200;
	[dreg:$0x8] =	wrdreg s18  }
0xc: {  	s20 =	simm.s32 $0x2200;
	[dreg:$0x9] =	wrdreg s19  }
0xd: {  	s21 =	simm.s32 $0x280;
	[dreg:$0xa] =	wrdreg s20  }
0xe: {  	s22 =	simm.s32 $0x2280;
	[dreg:$0xb] =	wrdreg s21  }
0xf: {  	s23 =	simm.s32 $0x300;
	[dreg:$0xc] =	wrdreg s22  }
0x10: {  	s24 =	simm.s32 $0x2300;
	[dreg:$0xd] =	wrdreg s23  }
0x11: {  	s25 =	simm.s32 $0x380;
	[dreg:$0xe] =	wrdreg s24  }
0x12: {  	s26 =	simm.s32 $0x2380;
	[dreg:$0xf] =	wrdreg s25  }
0x13: {  	s31 =	simm.s32 $0x400;
	[dreg:$0x10] =	wrdreg s26  }
0x14: {  	s0 =	simm.s32 $0x2400;
	[dreg:$0x11] =	wrdreg s31  }
0x15: {  	s6 =	simm.s32 $0x480;
	[dreg:$0x12] =	wrdreg s0  }
0x16: {  	s7 =	simm.s32 $0x2480;
	[dreg:$0x13] =	wrdreg s6  }
0x17: {  	s8 =	simm.s32 $0x500;
	[dreg:$0x14] =	wrdreg s7  }
0x18: {  	s9 =	simm.s32 $0x2500;
	[dreg:$0x15] =	wrdreg s8  }
0x19: {  	s10 =	simm.s32 $0x580;
	[dreg:$0x16] =	wrdreg s9  }
0x1a: {  	s11 =	simm.s32 $0x2580;
	[dreg:$0x17] =	wrdreg s10  }
0x1b: {  	s12 =	simm.s32 $0x600;
	[dreg:$0x18] =	wrdreg s11  }
0x1c: {  	s13 =	simm.s32 $0x2600;
	[dreg:$0x19] =	wrdreg s12  }
0x1d: {  	[dreg:$0x1a] =	wrdreg s13;
	s14 =	simm.s32 $0x680  }
0x1e: {  	s15 =	simm.s32 $0x2680;
	[dreg:$0x1b] =	wrdreg s14  }
0x1f: {  	s16 =	simm.s32 $0x700;
	[dreg:$0x1c] =	wrdreg s15  }
0x20: {  	s17 =	simm.s32 $0x2700;
	[dreg:$0x1d] =	wrdreg s16  }
0x21: {  	s18 =	simm.s32 $0x780;
	[dreg:$0x1e] =	wrdreg s17  }
0x22: {  	s19 =	simm.s32 $0x2780;
	[dreg:$0x1f] =	wrdreg s18  }
0x23: {  	s20 =	simm.s32 $0x800;
	[smem:$0x7B0] =	sst s19  }
0x24: {  	s21 =	simm.s32 $0x2800;
	[smem:$0x7B1] =	sst s20  }
0x25: {  	s22 =	simm.s32 $0x880;
	[smem:$0x7B2] =	sst s21  }
0x26: {  	s23 =	simm.s32 $0x2880;
	[smem:$0x7B3] =	sst s22  }
0x27: {  	s24 =	simm.s32 $0x900;
	[smem:$0x7B4] =	sst s23  }
0x28: {  	s25 =	simm.s32 $0x2900;
	[smem:$0x7B5] =	sst s24  }
0x29: {  	s26 =	simm.s32 $0x980;
	[smem:$0x7B6] =	sst s25  }
0x2a: {  	s31 =	simm.s32 $0x2980;
	[smem:$0x7B7] =	sst s26  }
0x2b: {  	s0 =	simm.s32 $0xA00;
	[smem:$0x7B8] =	sst s31  }
0x2c: {  	s6 =	simm.s32 $0x2A00;
	[smem:$0x7B9] =	sst s0  }
0x2d: {  	s7 =	simm.s32 $0xA80;
	[smem:$0x7BA] =	sst s6  }
0x2e: {  	s8 =	simm.s32 $0x2A80;
	[smem:$0x7BB] =	sst s7  }
0x2f: {  	s9 =	simm.s32 $0xB00;
	[smem:$0x7BC] =	sst s8  }
0x30: {  	s10 =	simm.s32 $0x2B00;
	[smem:$0x7BD] =	sst s9  }
0x31: {  	s11 =	simm.s32 $0xB80;
	[smem:$0x7BE] =	sst s10  }
0x32: {  	s4 =	sshrl.u32 s4, $0x3;
	s12 =	simm.s32 $0x2B80;
	[smem:$0x7BF] =	sst s11  }
0x33: {  	s4 =	sadd.s32 s4, s5;
	s13 =	simm.s32 $0xC00;
	[smem:$0x7C0] =	sst s12  }
0x34: {  	s5 =	sadd.s32 $0x320000, s4;
	[smem:$0x7C1] =	sst s13  }
0x35: {  	s14 =	simm.s32 $0x2C00;
	[dreg:$0x3] =	wrdreg s5  }
0x36: {  	s15 =	simm.s32 $0xC80;
	[smem:$0x7C2] =	sst s14  }
0x37: {  	s16 =	simm.s32 $0x2C80;
	[smem:$0x7C3] =	sst s15  }
0x38: {  	s17 =	simm.s32 $0xD00;
	[smem:$0x7C4] =	sst s16  }
0x39: {  	s18 =	simm.s32 $0x2D00;
	[smem:$0x7C5] =	sst s17  }
0x3a: {  	s19 =	simm.s32 $0xD80;
	[smem:$0x7C6] =	sst s18  }
0x3b: {  	s20 =	simm.s32 $0x2D80;
	[smem:$0x7C7] =	sst s19  }
0x3c: {  	s21 =	simm.s32 $0xE00;
	[smem:$0x7C8] =	sst s20  }
0x3d: {  	s22 =	simm.s32 $0x2E00;
	[smem:$0x7C9] =	sst s21  }
0x3e: {  	s23 =	simm.s32 $0xE80;
	[smem:$0x7CA] =	sst s22  }
0x3f: {  	s24 =	simm.s32 $0x2E80;
	[smem:$0x7CB] =	sst s23  }
0x40: {  	s25 =	simm.s32 $0xF00;
	[smem:$0x7CC] =	sst s24  }
0x41: {  	s26 =	simm.s32 $0x2F00;
	[smem:$0x7CD] =	sst s25  }
0x42: {  	s31 =	simm.s32 $0xF80;
	[smem:$0x7CE] =	sst s26  }
0x43: {  	s0 =	simm.s32 $0x2F80;
	[smem:$0x7CF] =	sst s31  }
0x44: {  	s6 =	simm.s32 $0x1000;
	[smem:$0x7D0] =	sst s0  }
0x45: {  	s7 =	simm.s32 $0x3000;
	[smem:$0x7D1] =	sst s6  }
0x46: {  	s8 =	simm.s32 $0x1080;
	[smem:$0x7D2] =	sst s7  }
0x47: {  	s9 =	simm.s32 $0x3080;
	[smem:$0x7D3] =	sst s8  }
0x48: {  	s10 =	simm.s32 $0x1100;
	[smem:$0x7D4] =	sst s9  }
0x49: {  	s11 =	simm.s32 $0x3100;
	[smem:$0x7D5] =	sst s10  }
0x4a: {  	s12 =	simm.s32 $0x1180;
	[smem:$0x7D6] =	sst s11  }
0x4b: {  	s13 =	simm.s32 $0x3180;
	[smem:$0x7D7] =	sst s12  }
0x4c: {  	[smem:$0x7D8] =	sst s13;
	s14 =	simm.s32 $0x1200  }
0x4d: {  	s15 =	simm.s32 $0x3200;
	[smem:$0x7D9] =	sst s14  }
0x4e: {  	s16 =	simm.s32 $0x1280;
	[smem:$0x7DA] =	sst s15  }
0x4f: {  	s17 =	simm.s32 $0x3280;
	[smem:$0x7DB] =	sst s16  }
0x50: {  	s18 =	simm.s32 $0x1300;
	[smem:$0x7DC] =	sst s17  }
0x51: {  	s19 =	simm.s32 $0x3300;
	[smem:$0x7DD] =	sst s18  }
0x52: {  	s20 =	simm.s32 $0x1380;
	[smem:$0x7DE] =	sst s19  }
0x53: {  	s21 =	simm.s32 $0x3380;
	[smem:$0x7DF] =	sst s20  }
0x54: {  	s22 =	simm.s32 $0x1400;
	[smem:$0x7E0] =	sst s21  }
0x55: {  	s23 =	simm.s32 $0x3400;
	[smem:$0x7E1] =	sst s22  }
0x56: {  	s24 =	simm.s32 $0x1480;
	[smem:$0x7E2] =	sst s23  }
0x57: {  	s25 =	simm.s32 $0x3480;
	[smem:$0x7E3] =	sst s24  }
0x58: {  	s26 =	simm.s32 $0x1500;
	[smem:$0x7E4] =	sst s25  }
0x59: {  	s31 =	simm.s32 $0x3500;
	[smem:$0x7E5] =	sst s26  }
0x5a: {  	s0 =	simm.s32 $0x1580;
	[smem:$0x7E6] =	sst s31  }
0x5b: {  	s6 =	simm.s32 $0x3580;
	[smem:$0x7E7] =	sst s0  }
0x5c: {  	s7 =	simm.s32 $0x1600;
	[smem:$0x7E8] =	sst s6  }
0x5d: {  	s8 =	simm.s32 $0x3600;
	[smem:$0x7E9] =	sst s7  }
0x5e: {  	s9 =	simm.s32 $0x1680;
	[smem:$0x7EA] =	sst s8  }
0x5f: {  	s10 =	simm.s32 $0x3680;
	[smem:$0x7EB] =	sst s9  }
0x60: {  	s11 =	simm.s32 $0x1700;
	[smem:$0x7EC] =	sst s10  }
0x61: {  	s12 =	simm.s32 $0x3700;
	[smem:$0x7ED] =	sst s11  }
0x62: {  	s13 =	simm.s32 $0x1780;
	[smem:$0x7EE] =	sst s12  }
0x63: {  	[smem:$0x7EF] =	sst s13;
	s14 =	simm.s32 $0x3780  }
0x64: {  	s28 =	simm.s32 $0x3F00;
	s15 =	simm.s32 $0x1800;
	[smem:$0x7F0] =	sst s14  }
0x65: {  	s29 =	simm.s32 $0x1F80;
	s16 =	simm.s32 $0x3800;
	[smem:$0x7F1] =	sst s15  }
0x66: {  	s30 =	simm.s32 $0x3F80;
	s17 =	simm.s32 $0x1880;
	[smem:$0x7F2] =	sst s16  }
0x67: {  	s1 =	ssub.s32 $0x2, s1;
	s18 =	simm.s32 $0x3880;
	[smem:$0x7F3] =	sst s17  }
0x68: {  	s19 =	simm.s32 $0x1900;
	s20 =	simm.s32 $0x3900;
	[smem:$0x7F4] =	sst s18  }
0x69: {  	s21 =	simm.s32 $0x1980;
	s6 =	sshrl.u32 s1, $0x1;
	[smem:$0x7F5] =	sst s19  }
0x6a: {  	s22 =	simm.s32 $0x3980;
	s23 =	simm.s32 $0x1A00;
	[smem:$0x7F6] =	sst s20  }
0x6b: {  	s25 =	simm.s32 $0x3A00;
	s26 =	simm.s32 $0x1A80;
	[smem:$0x7F7] =	sst s21  }
0x6c: {  	s7 =	simm.s32 $0x80;
	s31 =	simm.s32 $0x3A80;
	[smem:$0x7F8] =	sst s22  }
0x6d: {  	s8 =	simm.s32 $0x2000;
	s9 =	simm.s32 $0x1;
	[smem:$0x7FA] =	sst s23  }
0x6e: {  	s11 =	simm.s32 $0x3B00;
	s12 =	simm.s32 $0x1B80;
	[smem:$0x7FB] =	sst s25  }
0x6f: {  	s13 =	simm.s32 $0x3B80;
	s1 =	ssub.s32 s1, s6;
	[smem:$0x7FC] =	sst s26  }
0x70: {  	s6 =	simm.s32 $0x2;
	[smem:$0x7FD] =	sst s31;
	s14 =	simm.s32 $0x1C00  }
0x71: {  	s15 =	simm.s32 $0x3C00;
	s16 =	simm.s32 $0x1C80;
	s17 =	simm.s32 $0x3C80  }
0x72: {  	s18 =	simm.s32 $0x1D00;
	s19 =	simm.s32 $0x3D00;
	s20 =	simm.s32 $0x1D80  }
0x73: {  	s21 =	simm.s32 $0x3D80;
	s22 =	simm.s32 $0x1E00;
	s23 =	simm.s32 $0x3E00  }
0x74: {  	s25 =	simm.s32 $0x3E80;
	s26 =	simm.s32 $0x1F00;
	s24 =	smax.u32 s1, $0x1  }
0x75: {  	s1 =	simm.s32 $0x0;
	[smem:$0x7F9] =	sst s24;
	s24 =	simm.s32 $0x1E80  }
.LBB2_1:
0x76: {  	[smem:$0x7AF] =	sst s1;
	s1 =	simm.s32 $0x0  }
.LBB2_2:
0x77: {  	s0 =	rddreg [dreg:$0x3]  }
0x78: {  	s0 =	sadd.s32 s1, s0  }
0x79: {  	[tilespmem:s3], [sflag:$0x2] =	stream.linear.gather [hbm4b:s0+s3], $0x2000, $0x38;
	[tilespmem:$0x4000] =	vst v63  }
0x7a: {  	_ =	swait.ge [sflag:s6], $0x2000  }
0x7b: {  	s31 =	rddreg [dreg:$0x4]  }
0x7c: {  	[sflag:s6] =	ssyncset.done $0x0;
	s0 =	rddreg [dreg:$0x5]  }
0x7d: {  	s5 =	rddreg [dreg:$0x6];
	[sflag:s6] =	ssyncadd.s32 $0xFFFFE000  }
0x7e: {  	[tilespmem:s8], [sflag:$0x1] =	stream.indirect.gather [hbm4b:s2+s7], $0x1, s3, s7, $0xb8;
	[tilespmem:$0x4000] =	vst v63  }
0x7f: {  	s10 =	rddreg [dreg:$0x8]  }
0x80: {  	[tilespmem:s31], [sflag:$0x1] =	stream.indirect.gather [hbm4b:s2+s7], $0x1, s7, s7, $0xb8;
	[tilespmem:$0x4000] =	vst v63  }
0x81: {  	s31 =	rddreg [dreg:$0x7]  }
0x82: {  	[tilespmem:s5], [sflag:$0x1] =	stream.indirect.gather [hbm4b:s2+s7], $0x1, s0, s7, $0xb8;
	[tilespmem:$0x4000] =	vst v63  }
0x83: {  	s0 =	rddreg [dreg:$0x9]  }
0x84: {  	s5 =	rddreg [dreg:$0xa]  }
0x85: {  	[tilespmem:s10], [sflag:$0x1] =	stream.indirect.gather [hbm4b:s2+s7], $0x1, s31, s7, $0xb8;
	[tilespmem:$0x4000] =	vst v63  }
0x86: {  	s10 =	rddreg [dreg:$0xb]  }
0x87: {  	s31 =	rddreg [dreg:$0xc]  }
0x88: {  	[tilespmem:s5], [sflag:$0x1] =	stream.indirect.gather [hbm4b:s2+s7], $0x1, s0, s7, $0xb8;
	[tilespmem:$0x4000] =	vst v63  }
0x89: {  	s0 =	rddreg [dreg:$0xd]  }
0x8a: {  	s5 =	rddreg [dreg:$0xe]  }
0x8b: {  	[tilespmem:s31], [sflag:$0x1] =	stream.indirect.gather [hbm4b:s2+s7], $0x1, s10, s7, $0xb8;
	[tilespmem:$0x4000] =	vst v63  }
0x8c: {  	s10 =	rddreg [dreg:$0xf]  }
0x8d: {  	s31 =	rddreg [dreg:$0x10]  }
0x8e: {  	[tilespmem:s5], [sflag:$0x1] =	stream.indirect.gather [hbm4b:s2+s7], $0x1, s0, s7, $0xb8;
	[tilespmem:$0x4000] =	vst v63  }
0x8f: {  	s0 =	rddreg [dreg:$0x11]  }
0x90: {  	s5 =	rddreg [dreg:$0x12]  }
0x91: {  	[tilespmem:s31], [sflag:$0x1] =	stream.indirect.gather [hbm4b:s2+s7], $0x1, s10, s7, $0xb8;
	[tilespmem:$0x4000] =	vst v63  }
0x92: {  	s10 =	rddreg [dreg:$0x13]  }
0x93: {  	s31 =	rddreg [dreg:$0x14]  }
0x94: {  	[tilespmem:s5], [sflag:$0x1] =	stream.indirect.gather [hbm4b:s2+s7], $0x1, s0, s7, $0xb8;
	[tilespmem:$0x4000] =	vst v63  }
0x95: {  	s0 =	rddreg [dreg:$0x15]  }
0x96: {  	s5 =	rddreg [dreg:$0x16]  }
0x97: {  	[tilespmem:s31], [sflag:$0x1] =	stream.indirect.gather [hbm4b:s2+s7], $0x1, s10, s7, $0xb8;
	[tilespmem:$0x4000] =	vst v63  }
0x98: {  	s10 =	rddreg [dreg:$0x17]  }
0x99: {  	s31 =	rddreg [dreg:$0x18]  }
0x9a: {  	[tilespmem:s5], [sflag:$0x1] =	stream.indirect.gather [hbm4b:s2+s7], $0x1, s0, s7, $0xb8;
	[tilespmem:$0x4000] =	vst v63  }
0x9b: {  	s0 =	rddreg [dreg:$0x19]  }
0x9c: {  	s5 =	rddreg [dreg:$0x1a]  }
0x9d: {  	[tilespmem:s31], [sflag:$0x1] =	stream.indirect.gather [hbm4b:s2+s7], $0x1, s10, s7, $0xb8;
	[tilespmem:$0x4000] =	vst v63  }
0x9e: {  	s10 =	rddreg [dreg:$0x1b]  }
0x9f: {  	s31 =	rddreg [dreg:$0x1c]  }
0xa0: {  	[tilespmem:s5], [sflag:$0x1] =	stream.indirect.gather [hbm4b:s2+s7], $0x1, s0, s7, $0xb8;
	[tilespmem:$0x4000] =	vst v63  }
0xa1: {  	s0 =	rddreg [dreg:$0x1d]  }
0xa2: {  	s5 =	rddreg [dreg:$0x1e]  }
0xa3: {  	[tilespmem:s31], [sflag:$0x1] =	stream.indirect.gather [hbm4b:s2+s7], $0x1, s10, s7, $0xb8;
	[tilespmem:$0x4000] =	vst v63  }
0xa4: {  	s31 =	sld [smem:$0x7B0]  }
0xa5: {  	[tilespmem:s5], [sflag:$0x1] =	stream.indirect.gather [hbm4b:s2+s7], $0x1, s0, s7, $0xb8;
	[tilespmem:$0x4000] =	vst v63  }
0xa6: {  	s10 =	rddreg [dreg:$0x1f]  }
0xa7: {  	[tilespmem:s31], [sflag:$0x1] =	stream.indirect.gather [hbm4b:s2+s7], $0x1, s10, s7, $0xb8;
	[tilespmem:$0x4000] =	vst v63  }
0xa8: {  	_ =	swait.ge [sflag:s9], $0x80  }
0xa9: {  	[sflag:s9] =	ssyncset.done $0x0  }
0xaa: {  	[sflag:s9] =	ssyncadd.s32 $0xFFFFFF80  }
0xab: {  	_ =	swait.ge [sflag:s9], $0x80  }
0xac: {  	[sflag:s9] =	ssyncset.done $0x0  }
0xad: {  	[sflag:s9] =	ssyncadd.s32 $0xFFFFFF80  }
0xae: {  	_ =	swait.ge [sflag:s9], $0x80  }
0xaf: {  	[sflag:s9] =	ssyncset.done $0x0  }
0xb0: {  	[sflag:s9] =	ssyncadd.s32 $0xFFFFFF80  }
0xb1: {  	_ =	swait.ge [sflag:s9], $0x80  }
0xb2: {  	[sflag:s9] =	ssyncset.done $0x0  }
0xb3: {  	[sflag:s9] =	ssyncadd.s32 $0xFFFFFF80  }
0xb4: {  	_ =	swait.ge [sflag:s9], $0x80  }
0xb5: {  	[sflag:s9] =	ssyncset.done $0x0  }
0xb6: {  	[sflag:s9] =	ssyncadd.s32 $0xFFFFFF80  }
0xb7: {  	_ =	swait.ge [sflag:s9], $0x80  }
0xb8: {  	[sflag:s9] =	ssyncset.done $0x0  }
0xb9: {  	[sflag:s9] =	ssyncadd.s32 $0xFFFFFF80  }
0xba: {  	_ =	swait.ge [sflag:s9], $0x80  }
0xbb: {  	[sflag:s9] =	ssyncset.done $0x0  }
0xbc: {  	[sflag:s9] =	ssyncadd.s32 $0xFFFFFF80  }
0xbd: {  	_ =	swait.ge [sflag:s9], $0x80  }
0xbe: {  	[sflag:s9] =	ssyncset.done $0x0  }
0xbf: {  	[sflag:s9] =	ssyncadd.s32 $0xFFFFFF80  }
0xc0: {  	_ =	swait.ge [sflag:s9], $0x80  }
0xc1: {  	[sflag:s9] =	ssyncset.done $0x0  }
0xc2: {  	[sflag:s9] =	ssyncadd.s32 $0xFFFFFF80  }
0xc3: {  	_ =	swait.ge [sflag:s9], $0x80  }
0xc4: {  	[sflag:s9] =	ssyncset.done $0x0  }
0xc5: {  	[sflag:s9] =	ssyncadd.s32 $0xFFFFFF80  }
0xc6: {  	_ =	swait.ge [sflag:s9], $0x80  }
0xc7: {  	[sflag:s9] =	ssyncset.done $0x0  }
0xc8: {  	[sflag:s9] =	ssyncadd.s32 $0xFFFFFF80  }
0xc9: {  	_ =	swait.ge [sflag:s9], $0x80  }
0xca: {  	[sflag:s9] =	ssyncset.done $0x0  }
0xcb: {  	[sflag:s9] =	ssyncadd.s32 $0xFFFFFF80  }
0xcc: {  	_ =	swait.ge [sflag:s9], $0x80  }
0xcd: {  	[sflag:s9] =	ssyncset.done $0x0  }
0xce: {  	[sflag:s9] =	ssyncadd.s32 $0xFFFFFF80  }
0xcf: {  	_ =	swait.ge [sflag:s9], $0x80  }
0xd0: {  	[sflag:s9] =	ssyncset.done $0x0  }
0xd1: {  	[sflag:s9] =	ssyncadd.s32 $0xFFFFFF80  }
0xd2: {  	_ =	swait.ge [sflag:s9], $0x80  }
0xd3: {  	[sflag:s9] =	ssyncset.done $0x0  }
0xd4: {  	[sflag:s9] =	ssyncadd.s32 $0xFFFFFF80  }
0xd5: {  	_ =	swait.ge [sflag:s9], $0x80  }
0xd6: {  	s0 =	sld [smem:$0x7B1]  }
0xd7: {  	s5 =	sld [smem:$0x7B2]  }
0xd8: {  	[sflag:s9] =	ssyncset.done $0x0;
	s10 =	sld [smem:$0x7B3]  }
0xd9: {  	s31 =	sld [smem:$0x7B4];
	[sflag:s9] =	ssyncadd.s32 $0xFFFFFF80  }
0xda: {  	[tilespmem:s5], [sflag:$0x1] =	stream.indirect.gather [hbm4b:s2+s7], $0x1, s0, s7, $0xb8;
	[tilespmem:$0x4000] =	vst v63  }
0xdb: {  	s0 =	sld [smem:$0x7B5]  }
0xdc: {  	s5 =	sld [smem:$0x7B6]  }
0xdd: {  	[tilespmem:s31], [sflag:$0x1] =	stream.indirect.gather [hbm4b:s2+s7], $0x1, s10, s7, $0xb8;
	[tilespmem:$0x4000] =	vst v63  }
0xde: {  	s10 =	sld [smem:$0x7B7]  }
0xdf: {  	s31 =	sld [smem:$0x7B8]  }
0xe0: {  	[tilespmem:s5], [sflag:$0x1] =	stream.indirect.gather [hbm4b:s2+s7], $0x1, s0, s7, $0xb8;
	[tilespmem:$0x4000] =	vst v63  }
0xe1: {  	s0 =	sld [smem:$0x7B9]  }
0xe2: {  	s5 =	sld [smem:$0x7BA]  }
0xe3: {  	[tilespmem:s31], [sflag:$0x1] =	stream.indirect.gather [hbm4b:s2+s7], $0x1, s10, s7, $0xb8;
	[tilespmem:$0x4000] =	vst v63  }
0xe4: {  	s10 =	sld [smem:$0x7BB]  }
0xe5: {  	s31 =	sld [smem:$0x7BC]  }
0xe6: {  	[tilespmem:s5], [sflag:$0x1] =	stream.indirect.gather [hbm4b:s2+s7], $0x1, s0, s7, $0xb8;
	[tilespmem:$0x4000] =	vst v63  }
0xe7: {  	s0 =	sld [smem:$0x7BD]  }
0xe8: {  	s5 =	sld [smem:$0x7BE]  }
0xe9: {  	[tilespmem:s31], [sflag:$0x1] =	stream.indirect.gather [hbm4b:s2+s7], $0x1, s10, s7, $0xb8;
	[tilespmem:$0x4000] =	vst v63  }
0xea: {  	s10 =	sld [smem:$0x7BF]  }
0xeb: {  	s31 =	sld [smem:$0x7C0]  }
0xec: {  	[tilespmem:s5], [sflag:$0x1] =	stream.indirect.gather [hbm4b:s2+s7], $0x1, s0, s7, $0xb8;
	[tilespmem:$0x4000] =	vst v63  }
0xed: {  	s0 =	sld [smem:$0x7C1]  }
0xee: {  	s5 =	sld [smem:$0x7C2]  }
0xef: {  	[tilespmem:s31], [sflag:$0x1] =	stream.indirect.gather [hbm4b:s2+s7], $0x1, s10, s7, $0xb8;
	[tilespmem:$0x4000] =	vst v63  }
0xf0: {  	s10 =	sld [smem:$0x7C3]  }
0xf1: {  	s31 =	sld [smem:$0x7C4]  }
0xf2: {  	[tilespmem:s5], [sflag:$0x1] =	stream.indirect.gather [hbm4b:s2+s7], $0x1, s0, s7, $0xb8;
	[tilespmem:$0x4000] =	vst v63  }
0xf3: {  	s0 =	sld [smem:$0x7C5]  }
0xf4: {  	s5 =	sld [smem:$0x7C6]  }
0xf5: {  	[tilespmem:s31], [sflag:$0x1] =	stream.indirect.gather [hbm4b:s2+s7], $0x1, s10, s7, $0xb8;
	[tilespmem:$0x4000] =	vst v63  }
0xf6: {  	s10 =	sld [smem:$0x7C7]  }
0xf7: {  	s31 =	sld [smem:$0x7C8]  }
0xf8: {  	[tilespmem:s5], [sflag:$0x1] =	stream.indirect.gather [hbm4b:s2+s7], $0x1, s0, s7, $0xb8;
	[tilespmem:$0x4000] =	vst v63  }
0xf9: {  	s0 =	sld [smem:$0x7C9]  }
0xfa: {  	s5 =	sld [smem:$0x7CA]  }
0xfb: {  	[tilespmem:s31], [sflag:$0x1] =	stream.indirect.gather [hbm4b:s2+s7], $0x1, s10, s7, $0xb8;
	[tilespmem:$0x4000] =	vst v63  }
0xfc: {  	s10 =	sld [smem:$0x7CB]  }
0xfd: {  	s31 =	sld [smem:$0x7CC]  }
0xfe: {  	[tilespmem:s5], [sflag:$0x1] =	stream.indirect.gather [hbm4b:s2+s7], $0x1, s0, s7, $0xb8;
	[tilespmem:$0x4000] =	vst v63  }
0xff: {  	s0 =	sld [smem:$0x7CD]  }
0x100: {  	s5 =	sld [smem:$0x7CE]  }
0x101: {  	[tilespmem:s31], [sflag:$0x1] =	stream.indirect.gather [hbm4b:s2+s7], $0x1, s10, s7, $0xb8;
	[tilespmem:$0x4000] =	vst v63  }
0x102: {  	s10 =	sld [smem:$0x7CF]  }
0x103: {  	s31 =	sld [smem:$0x7D0]  }
0x104: {  	[tilespmem:s5], [sflag:$0x1] =	stream.indirect.gather [hbm4b:s2+s7], $0x1, s0, s7, $0xb8;
	[tilespmem:$0x4000] =	vst v63  }
0x105: {  	_ = 	snop  }
0x106: {  	[tilespmem:s31], [sflag:$0x1] =	stream.indirect.gather [hbm4b:s2+s7], $0x1, s10, s7, $0xb8;
	[tilespmem:$0x4000] =	vst v63  }
0x107: {  	_ =	swait.ge [sflag:s9], $0x80  }
0x108: {  	[sflag:s9] =	ssyncset.done $0x0  }
0x109: {  	[sflag:s9] =	ssyncadd.s32 $0xFFFFFF80  }
0x10a: {  	_ =	swait.ge [sflag:s9], $0x80  }
0x10b: {  	[sflag:s9] =	ssyncset.done $0x0  }
0x10c: {  	[sflag:s9] =	ssyncadd.s32 $0xFFFFFF80  }
0x10d: {  	_ =	swait.ge [sflag:s9], $0x80  }
0x10e: {  	[sflag:s9] =	ssyncset.done $0x0  }
0x10f: {  	[sflag:s9] =	ssyncadd.s32 $0xFFFFFF80  }
0x110: {  	_ =	swait.ge [sflag:s9], $0x80  }
0x111: {  	[sflag:s9] =	ssyncset.done $0x0  }
0x112: {  	[sflag:s9] =	ssyncadd.s32 $0xFFFFFF80  }
0x113: {  	_ =	swait.ge [sflag:s9], $0x80  }
0x114: {  	[sflag:s9] =	ssyncset.done $0x0  }
0x115: {  	[sflag:s9] =	ssyncadd.s32 $0xFFFFFF80  }
0x116: {  	_ =	swait.ge [sflag:s9], $0x80  }
0x117: {  	[sflag:s9] =	ssyncset.done $0x0  }
0x118: {  	[sflag:s9] =	ssyncadd.s32 $0xFFFFFF80  }
0x119: {  	_ =	swait.ge [sflag:s9], $0x80  }
0x11a: {  	[sflag:s9] =	ssyncset.done $0x0  }
0x11b: {  	[sflag:s9] =	ssyncadd.s32 $0xFFFFFF80  }
0x11c: {  	_ =	swait.ge [sflag:s9], $0x80  }
0x11d: {  	[sflag:s9] =	ssyncset.done $0x0  }
0x11e: {  	[sflag:s9] =	ssyncadd.s32 $0xFFFFFF80  }
0x11f: {  	_ =	swait.ge [sflag:s9], $0x80  }
0x120: {  	[sflag:s9] =	ssyncset.done $0x0  }
0x121: {  	[sflag:s9] =	ssyncadd.s32 $0xFFFFFF80  }
0x122: {  	_ =	swait.ge [sflag:s9], $0x80  }
0x123: {  	[sflag:s9] =	ssyncset.done $0x0  }
0x124: {  	[sflag:s9] =	ssyncadd.s32 $0xFFFFFF80  }
0x125: {  	_ =	swait.ge [sflag:s9], $0x80  }
0x126: {  	[sflag:s9] =	ssyncset.done $0x0  }
0x127: {  	[sflag:s9] =	ssyncadd.s32 $0xFFFFFF80  }
0x128: {  	_ =	swait.ge [sflag:s9], $0x80  }
0x129: {  	[sflag:s9] =	ssyncset.done $0x0  }
0x12a: {  	[sflag:s9] =	ssyncadd.s32 $0xFFFFFF80  }
0x12b: {  	_ =	swait.ge [sflag:s9], $0x80  }
0x12c: {  	[sflag:s9] =	ssyncset.done $0x0  }
0x12d: {  	[sflag:s9] =	ssyncadd.s32 $0xFFFFFF80  }
0x12e: {  	_ =	swait.ge [sflag:s9], $0x80  }
0x12f: {  	[sflag:s9] =	ssyncset.done $0x0  }
0x130: {  	[sflag:s9] =	ssyncadd.s32 $0xFFFFFF80  }
0x131: {  	_ =	swait.ge [sflag:s9], $0x80  }
0x132: {  	[sflag:s9] =	ssyncset.done $0x0  }
0x133: {  	[sflag:s9] =	ssyncadd.s32 $0xFFFFFF80  }
0x134: {  	_ =	swait.ge [sflag:s9], $0x80  }
0x135: {  	s0 =	sld [smem:$0x7D1]  }
0x136: {  	s5 =	sld [smem:$0x7D2]  }
0x137: {  	[sflag:s9] =	ssyncset.done $0x0;
	s10 =	sld [smem:$0x7D3]  }
0x138: {  	s31 =	sld [smem:$0x7D4];
	[sflag:s9] =	ssyncadd.s32 $0xFFFFFF80  }
0x139: {  	[tilespmem:s5], [sflag:$0x1] =	stream.indirect.gather [hbm4b:s2+s7], $0x1, s0, s7, $0xb8;
	[tilespmem:$0x4000] =	vst v63  }
0x13a: {  	s0 =	sld [smem:$0x7D5]  }
0x13b: {  	s5 =	sld [smem:$0x7D6]  }
0x13c: {  	[tilespmem:s31], [sflag:$0x1] =	stream.indirect.gather [hbm4b:s2+s7], $0x1, s10, s7, $0xb8;
	[tilespmem:$0x4000] =	vst v63  }
0x13d: {  	s10 =	sld [smem:$0x7D7]  }
0x13e: {  	s31 =	sld [smem:$0x7D8]  }
0x13f: {  	[tilespmem:s5], [sflag:$0x1] =	stream.indirect.gather [hbm4b:s2+s7], $0x1, s0, s7, $0xb8;
	[tilespmem:$0x4000] =	vst v63  }
0x140: {  	s0 =	sld [smem:$0x7D9]  }
0x141: {  	s5 =	sld [smem:$0x7DA]  }
0x142: {  	[tilespmem:s31], [sflag:$0x1] =	stream.indirect.gather [hbm4b:s2+s7], $0x1, s10, s7, $0xb8;
	[tilespmem:$0x4000] =	vst v63  }
0x143: {  	s10 =	sld [smem:$0x7DB]  }
0x144: {  	s31 =	sld [smem:$0x7DC]  }
0x145: {  	[tilespmem:s5], [sflag:$0x1] =	stream.indirect.gather [hbm4b:s2+s7], $0x1, s0, s7, $0xb8;
	[tilespmem:$0x4000] =	vst v63  }
0x146: {  	s0 =	sld [smem:$0x7DD]  }
0x147: {  	s5 =	sld [smem:$0x7DE]  }
0x148: {  	[tilespmem:s31], [sflag:$0x1] =	stream.indirect.gather [hbm4b:s2+s7], $0x1, s10, s7, $0xb8;
	[tilespmem:$0x4000] =	vst v63  }
0x149: {  	s10 =	sld [smem:$0x7DF]  }
0x14a: {  	s31 =	sld [smem:$0x7E0]  }
0x14b: {  	[tilespmem:s5], [sflag:$0x1] =	stream.indirect.gather [hbm4b:s2+s7], $0x1, s0, s7, $0xb8;
	[tilespmem:$0x4000] =	vst v63  }
0x14c: {  	s0 =	sld [smem:$0x7E1]  }
0x14d: {  	s5 =	sld [smem:$0x7E2]  }
0x14e: {  	[tilespmem:s31], [sflag:$0x1] =	stream.indirect.gather [hbm4b:s2+s7], $0x1, s10, s7, $0xb8;
	[tilespmem:$0x4000] =	vst v63  }
0x14f: {  	s10 =	sld [smem:$0x7E3]  }
0x150: {  	s31 =	sld [smem:$0x7E4]  }
0x151: {  	[tilespmem:s5], [sflag:$0x1] =	stream.indirect.gather [hbm4b:s2+s7], $0x1, s0, s7, $0xb8;
	[tilespmem:$0x4000] =	vst v63  }
0x152: {  	s0 =	sld [smem:$0x7E5]  }
0x153: {  	s5 =	sld [smem:$0x7E6]  }
0x154: {  	[tilespmem:s31], [sflag:$0x1] =	stream.indirect.gather [hbm4b:s2+s7], $0x1, s10, s7, $0xb8;
	[tilespmem:$0x4000] =	vst v63  }
0x155: {  	s10 =	sld [smem:$0x7E7]  }
0x156: {  	s31 =	sld [smem:$0x7E8]  }
0x157: {  	[tilespmem:s5], [sflag:$0x1] =	stream.indirect.gather [hbm4b:s2+s7], $0x1, s0, s7, $0xb8;
	[tilespmem:$0x4000] =	vst v63  }
0x158: {  	s0 =	sld [smem:$0x7E9]  }
0x159: {  	s5 =	sld [smem:$0x7EA]  }
0x15a: {  	[tilespmem:s31], [sflag:$0x1] =	stream.indirect.gather [hbm4b:s2+s7], $0x1, s10, s7, $0xb8;
	[tilespmem:$0x4000] =	vst v63  }
0x15b: {  	s10 =	sld [smem:$0x7EB]  }
0x15c: {  	s31 =	sld [smem:$0x7EC]  }
0x15d: {  	[tilespmem:s5], [sflag:$0x1] =	stream.indirect.gather [hbm4b:s2+s7], $0x1, s0, s7, $0xb8;
	[tilespmem:$0x4000] =	vst v63  }
0x15e: {  	s0 =	sld [smem:$0x7ED]  }
0x15f: {  	s5 =	sld [smem:$0x7EE]  }
0x160: {  	[tilespmem:s31], [sflag:$0x1] =	stream.indirect.gather [hbm4b:s2+s7], $0x1, s10, s7, $0xb8;
	[tilespmem:$0x4000] =	vst v63  }
0x161: {  	s10 =	sld [smem:$0x7EF]  }
0x162: {  	s31 =	sld [smem:$0x7F0]  }
0x163: {  	[tilespmem:s5], [sflag:$0x1] =	stream.indirect.gather [hbm4b:s2+s7], $0x1, s0, s7, $0xb8;
	[tilespmem:$0x4000] =	vst v63  }
0x164: {  	_ = 	snop  }
0x165: {  	[tilespmem:s31], [sflag:$0x1] =	stream.indirect.gather [hbm4b:s2+s7], $0x1, s10, s7, $0xb8;
	[tilespmem:$0x4000] =	vst v63  }
0x166: {  	_ =	swait.ge [sflag:s9], $0x80  }
0x167: {  	[sflag:s9] =	ssyncset.done $0x0  }
0x168: {  	[sflag:s9] =	ssyncadd.s32 $0xFFFFFF80  }
0x169: {  	_ =	swait.ge [sflag:s9], $0x80  }
0x16a: {  	[sflag:s9] =	ssyncset.done $0x0  }
0x16b: {  	[sflag:s9] =	ssyncadd.s32 $0xFFFFFF80  }
0x16c: {  	_ =	swait.ge [sflag:s9], $0x80  }
0x16d: {  	[sflag:s9] =	ssyncset.done $0x0  }
0x16e: {  	[sflag:s9] =	ssyncadd.s32 $0xFFFFFF80  }
0x16f: {  	_ =	swait.ge [sflag:s9], $0x80  }
0x170: {  	[sflag:s9] =	ssyncset.done $0x0  }
0x171: {  	[sflag:s9] =	ssyncadd.s32 $0xFFFFFF80  }
0x172: {  	_ =	swait.ge [sflag:s9], $0x80  }
0x173: {  	[sflag:s9] =	ssyncset.done $0x0  }
0x174: {  	[sflag:s9] =	ssyncadd.s32 $0xFFFFFF80  }
0x175: {  	_ =	swait.ge [sflag:s9], $0x80  }
0x176: {  	[sflag:s9] =	ssyncset.done $0x0  }
0x177: {  	[sflag:s9] =	ssyncadd.s32 $0xFFFFFF80  }
0x178: {  	_ =	swait.ge [sflag:s9], $0x80  }
0x179: {  	[sflag:s9] =	ssyncset.done $0x0  }
0x17a: {  	[sflag:s9] =	ssyncadd.s32 $0xFFFFFF80  }
0x17b: {  	_ =	swait.ge [sflag:s9], $0x80  }
0x17c: {  	[sflag:s9] =	ssyncset.done $0x0  }
0x17d: {  	[sflag:s9] =	ssyncadd.s32 $0xFFFFFF80  }
0x17e: {  	_ =	swait.ge [sflag:s9], $0x80  }
0x17f: {  	[sflag:s9] =	ssyncset.done $0x0  }
0x180: {  	[sflag:s9] =	ssyncadd.s32 $0xFFFFFF80  }
0x181: {  	_ =	swait.ge [sflag:s9], $0x80  }
0x182: {  	[sflag:s9] =	ssyncset.done $0x0  }
0x183: {  	[sflag:s9] =	ssyncadd.s32 $0xFFFFFF80  }
0x184: {  	_ =	swait.ge [sflag:s9], $0x80  }
0x185: {  	[sflag:s9] =	ssyncset.done $0x0  }
0x186: {  	[sflag:s9] =	ssyncadd.s32 $0xFFFFFF80  }
0x187: {  	_ =	swait.ge [sflag:s9], $0x80  }
0x188: {  	[sflag:s9] =	ssyncset.done $0x0  }
0x189: {  	[sflag:s9] =	ssyncadd.s32 $0xFFFFFF80  }
0x18a: {  	_ =	swait.ge [sflag:s9], $0x80  }
0x18b: {  	[sflag:s9] =	ssyncset.done $0x0  }
0x18c: {  	[sflag:s9] =	ssyncadd.s32 $0xFFFFFF80  }
0x18d: {  	_ =	swait.ge [sflag:s9], $0x80  }
0x18e: {  	[sflag:s9] =	ssyncset.done $0x0  }
0x18f: {  	[sflag:s9] =	ssyncadd.s32 $0xFFFFFF80  }
0x190: {  	_ =	swait.ge [sflag:s9], $0x80  }
0x191: {  	[sflag:s9] =	ssyncset.done $0x0  }
0x192: {  	[sflag:s9] =	ssyncadd.s32 $0xFFFFFF80  }
0x193: {  	_ =	swait.ge [sflag:s9], $0x80  }
0x194: {  	s0 =	sld [smem:$0x7F1]  }
0x195: {  	s5 =	sld [smem:$0x7F2]  }
0x196: {  	[sflag:s9] =	ssyncset.done $0x0;
	s10 =	sld [smem:$0x7F3]  }
0x197: {  	s31 =	sld [smem:$0x7F4];
	[sflag:s9] =	ssyncadd.s32 $0xFFFFFF80  }
0x198: {  	[tilespmem:s5], [sflag:$0x1] =	stream.indirect.gather [hbm4b:s2+s7], $0x1, s0, s7, $0xb8;
	[tilespmem:$0x4000] =	vst v63  }
0x199: {  	s0 =	sld [smem:$0x7F5]  }
0x19a: {  	s5 =	sld [smem:$0x7F6]  }
0x19b: {  	[tilespmem:s31], [sflag:$0x1] =	stream.indirect.gather [hbm4b:s2+s7], $0x1, s10, s7, $0xb8;
	[tilespmem:$0x4000] =	vst v63  }
0x19c: {  	s10 =	sld [smem:$0x7F7]  }
0x19d: {  	s31 =	sld [smem:$0x7F8]  }
0x19e: {  	[tilespmem:s5], [sflag:$0x1] =	stream.indirect.gather [hbm4b:s2+s7], $0x1, s0, s7, $0xb8;
	[tilespmem:$0x4000] =	vst v63  }
0x19f: {  	s0 =	sld [smem:$0x7FA]  }
0x1a0: {  	s5 =	sld [smem:$0x7FB]  }
0x1a1: {  	[tilespmem:s31], [sflag:$0x1] =	stream.indirect.gather [hbm4b:s2+s7], $0x1, s10, s7, $0xb8;
	[tilespmem:$0x4000] =	vst v63  }
0x1a2: {  	s10 =	sld [smem:$0x7FC]  }
0x1a3: {  	s31 =	sld [smem:$0x7FD]  }
0x1a4: {  	[tilespmem:s5], [sflag:$0x1] =	stream.indirect.gather [hbm4b:s2+s7], $0x1, s0, s7, $0xb8;
	[tilespmem:$0x4000] =	vst v63  }
0x1a5: {  	_ = 	snop  }
0x1a6: {  	[tilespmem:s31], [sflag:$0x1] =	stream.indirect.gather [hbm4b:s2+s7], $0x1, s10, s7, $0xb8;
	[tilespmem:$0x4000] =	vst v63  }
0x1a7: {  	s5 =	simm.s32 $0x1B00  }
0x1a8: {  	[tilespmem:s11], [sflag:$0x1] =	stream.indirect.gather [hbm4b:s2+s7], $0x1, s5, s7, $0xb8;
	[tilespmem:$0x4000] =	vst v63  }
0x1a9: {  	_ = 	snop  }
0x1aa: {  	[tilespmem:s13], [sflag:$0x1] =	stream.indirect.gather [hbm4b:s2+s7], $0x1, s12, s7, $0xb8;
	[tilespmem:$0x4000] =	vst v63  }
0x1ab: {  	_ = 	snop  }
0x1ac: {  	[tilespmem:s15], [sflag:$0x1] =	stream.indirect.gather [hbm4b:s2+s7], $0x1, s14, s7, $0xb8;
	[tilespmem:$0x4000] =	vst v63  }
0x1ad: {  	_ = 	snop  }
0x1ae: {  	[tilespmem:s17], [sflag:$0x1] =	stream.indirect.gather [hbm4b:s2+s7], $0x1, s16, s7, $0xb8;
	[tilespmem:$0x4000] =	vst v63  }
0x1af: {  	_ = 	snop  }
0x1b0: {  	[tilespmem:s19], [sflag:$0x1] =	stream.indirect.gather [hbm4b:s2+s7], $0x1, s18, s7, $0xb8;
	[tilespmem:$0x4000] =	vst v63  }
0x1b1: {  	_ = 	snop  }
0x1b2: {  	[tilespmem:s21], [sflag:$0x1] =	stream.indirect.gather [hbm4b:s2+s7], $0x1, s20, s7, $0xb8;
	[tilespmem:$0x4000] =	vst v63  }
0x1b3: {  	_ = 	snop  }
0x1b4: {  	[tilespmem:s23], [sflag:$0x1] =	stream.indirect.gather [hbm4b:s2+s7], $0x1, s22, s7, $0xb8;
	[tilespmem:$0x4000] =	vst v63  }
0x1b5: {  	_ = 	snop  }
0x1b6: {  	[tilespmem:s25], [sflag:$0x1] =	stream.indirect.gather [hbm4b:s2+s7], $0x1, s24, s7, $0xb8;
	[tilespmem:$0x4000] =	vst v63  }
0x1b7: {  	_ = 	snop  }
0x1b8: {  	[tilespmem:s28], [sflag:$0x1] =	stream.indirect.gather [hbm4b:s2+s7], $0x1, s26, s7, $0xb8;
	[tilespmem:$0x4000] =	vst v63  }
0x1b9: {  	_ = 	snop  }
0x1ba: {  	[tilespmem:s30], [sflag:$0x1] =	stream.indirect.gather [hbm4b:s2+s7], $0x1, s29, s7, $0xb8;
	[tilespmem:$0x4000] =	vst v63  }
0x1bb: {  	_ =	swait.ge [sflag:s9], $0x80  }
0x1bc: {  	[sflag:s9] =	ssyncset.done $0x0  }
0x1bd: {  	[sflag:s9] =	ssyncadd.s32 $0xFFFFFF80  }
0x1be: {  	_ =	swait.ge [sflag:s9], $0x80  }
0x1bf: {  	[sflag:s9] =	ssyncset.done $0x0  }
0x1c0: {  	[sflag:s9] =	ssyncadd.s32 $0xFFFFFF80  }
0x1c1: {  	_ =	swait.ge [sflag:s9], $0x80  }
0x1c2: {  	[sflag:s9] =	ssyncset.done $0x0  }
0x1c3: {  	[sflag:s9] =	ssyncadd.s32 $0xFFFFFF80  }
0x1c4: {  	_ =	swait.ge [sflag:s9], $0x80  }
0x1c5: {  	[sflag:s9] =	ssyncset.done $0x0  }
0x1c6: {  	[sflag:s9] =	ssyncadd.s32 $0xFFFFFF80  }
0x1c7: {  	_ =	swait.ge [sflag:s9], $0x80  }
0x1c8: {  	[sflag:s9] =	ssyncset.done $0x0  }
0x1c9: {  	[sflag:s9] =	ssyncadd.s32 $0xFFFFFF80  }
0x1ca: {  	_ =	swait.ge [sflag:s9], $0x80  }
0x1cb: {  	[sflag:s9] =	ssyncset.done $0x0  }
0x1cc: {  	[sflag:s9] =	ssyncadd.s32 $0xFFFFFF80  }
0x1cd: {  	_ =	swait.ge [sflag:s9], $0x80  }
0x1ce: {  	[sflag:s9] =	ssyncset.done $0x0  }
0x1cf: {  	[sflag:s9] =	ssyncadd.s32 $0xFFFFFF80  }
0x1d0: {  	_ =	swait.ge [sflag:s9], $0x80  }
0x1d1: {  	[sflag:s9] =	ssyncset.done $0x0  }
0x1d2: {  	[sflag:s9] =	ssyncadd.s32 $0xFFFFFF80  }
0x1d3: {  	_ =	swait.ge [sflag:s9], $0x80  }
0x1d4: {  	[sflag:s9] =	ssyncset.done $0x0  }
0x1d5: {  	[sflag:s9] =	ssyncadd.s32 $0xFFFFFF80  }
0x1d6: {  	_ =	swait.ge [sflag:s9], $0x80  }
0x1d7: {  	[sflag:s9] =	ssyncset.done $0x0  }
0x1d8: {  	[sflag:s9] =	ssyncadd.s32 $0xFFFFFF80  }
0x1d9: {  	_ =	swait.ge [sflag:s9], $0x80  }
0x1da: {  	[sflag:s9] =	ssyncset.done $0x0  }
0x1db: {  	[sflag:s9] =	ssyncadd.s32 $0xFFFFFF80  }
0x1dc: {  	_ =	swait.ge [sflag:s9], $0x80  }
0x1dd: {  	[sflag:s9] =	ssyncset.done $0x0  }
0x1de: {  	[sflag:s9] =	ssyncadd.s32 $0xFFFFFF80  }
0x1df: {  	_ =	swait.ge [sflag:s9], $0x80  }
0x1e0: {  	[sflag:s9] =	ssyncset.done $0x0  }
0x1e1: {  	[sflag:s9] =	ssyncadd.s32 $0xFFFFFF80  }
0x1e2: {  	_ =	swait.ge [sflag:s9], $0x80  }
0x1e3: {  	[sflag:s9] =	ssyncset.done $0x0  }
0x1e4: {  	[sflag:s9] =	ssyncadd.s32 $0xFFFFFF80  }
0x1e5: {  	_ =	swait.ge [sflag:s9], $0x80  }
0x1e6: {  	[sflag:s9] =	ssyncset.done $0x0  }
0x1e7: {  	[sflag:s9] =	ssyncadd.s32 $0xFFFFFF80  }
0x1e8: {  	_ =	swait.ge [sflag:s9], $0x80  }
0x1e9: {  	p0 =	sne.s32 s1, $0x18C00;
	[sflag:s9] =	ssyncset.done $0x0  }
.Ltmp0:
0x1ea: {  	s31 =	sadd.s32 s1, s4;
	[sflag:s9] =	ssyncadd.s32 $0xFFFFFF80;
	(pc) =	sbr.rel @p0 .LBB2_2-.Ltmp0, $4  }
0x1eb: {  	[hbm4b:s31+s3] =	stream.linear.scatter [tilespmem:s8], [sflag:$0x2], $0x2000, $0x38;
	[tilespmem:$0x4000] =	vst v63  }
0x1ec: {  	_ =	swait.ge [sflag:s6], $0x2000  }
0x1ed: {  	[sflag:s6] =	ssyncset.done $0x0  }
0x1ee: {  	s1 =	sadd.s32 $0x400, s1;
	[sflag:s6] =	ssyncadd.s32 $0xFFFFE000  }
0x1ef: {  	s1 =	sld [smem:$0x7AF]  }
0x1f0: {  	s0 =	sld [smem:$0x7F9];
	_ =	sdelay $0x1  }
0x1f1: {  	s1 =	sadd.s32 $0x1, s1  }
0x1f2: {  	p0 =	sne.s32 s1, s0  }
.Ltmp1:
0x1f3: {  	_ = 	snop;
	(pc) =	sbr.rel @p0 .LBB2_1-.Ltmp1, $1  }
0x1f4: {  	_ =	sdelay $0x3  }
0x1f5: {  	_ =	sfence.sel $0x180000  }
0x1f6: {  	[bflag:$0x0] =	sbarrier.arrive $0xFFFF  }
0x1f7: {  	_ =	strace $0x9000004A  }
0x1f8: {  	s0 =	stileid.u32;
	[bflag:$0x2] =	sbarrier.arrive $0xFFFF  }
0x1f9: {  	p0 =	sne.s32 s0, $0x0;
	s0 =	rddreg [dreg:$0x2]  }
0x1fa: {  	s0 =	sadd.s32 @!p0 $0x100000, s0  }
0x1fb: {  	[sflag:s0] =	ssyncadd.tile.s32 @!p0 $0x1;
	_ =	shalt  }
.Lfunc_end2:
_tile_overlayer_lowered:
.L_overlay_start_2:
0x1fc: {  	(tag) =	ssettag $0x2  }
0x1fd: {  	s0 =	rddreg [dreg:$0x0];
	s2 =	stileid.u32  }
0x1fe: {  	s1 =	rddreg [dreg:$0x1];
	p0 =	sne.s32 s2, $0x0  }
0x1ff: {  	s3 =	rddreg [dreg:$0x2];
	[bflag:$0x3] =	sbarrier.arrive $0xFFFF;
	s2 =	simm.s32 @!p0 $0x1C02  }
0x200: {  	[timem:s3], [sflag:s2] =	dma.local @!p0 [hbm:s0], s1  }
0x201: {  	s0 =	simm.s32 @!p0 $0x2  }
0x202: {  	_ =	swait.ge @!p0 [sflag:s0], s1  }
0x203: {  	s1 =	ssub.s32 @!p0 $0x0, s1;
	[sflag:s0] =	ssyncset.done @!p0 $0x0  }
0x204: {  	[sflag:s0] =	ssyncadd.s32 @!p0 s1  }
0x205: {  	[bflag:$0x3] =	sbarrier.arrive $0xFFFF  }
0x206: {  	_ =	shalt  }

// kernel: sparse-core-data-format-call.1.cloned.1.call-start
scs
called_computation.1_lowered:
.L_overlay_start_0:
0x0: {  	s1 =	sld [smem:$0x3FD9]  }
0x1: {  	s2 =	sld [smem:$0x3FFE];
	_ =	sdelay $0x1  }
0x2: {  	s3 =	srdreg.scid  }
0x3: {  	s0 =	sand.u32 $0x1, s3  }
0x4: {  	s17 =	sshll.u32 s0, $0xA;
	s1 =	sadd.s32 s2, s1  }
0x5: {  	s1 =	sadd.s32 s1, s17  }
0x6: {  	[smem:$0x3FC7] =	sst s1  }
0x7: {  	_ = 	snop  }
0x8: {  	(tm) =	ssettm $0x1  }
0x9: {  	s18 =	sld [smem:$0x3FFB];
	_ =	sdelay $0x3  }
0xa: {  	_ =	strace s18  }
0xb: {  	s1 =	sld [smem:$0x3FFC];
	_ =	sdelay $0x3  }
0xc: {  	_ =	strace s1  }
0xd: {  	s1 =	sld [smem:$0x3FFD];
	_ =	sdelay $0x3  }
0xe: {  	_ =	strace s1  }
0xf: {  	_ =	strace $0x8FFFFFFF  }
0x10: {  	s19 =	sld [smem:$0x3FDB];
	_ =	sdelay $0x1  }
0x11: {  	s20 =	simm.s32 $_scs_section_size  }
0x12: {  	s4 =	simm.s32 $_size__tile_overlayer_lowered;
	s5 =	simm.s32 $_tile_overlayer_lowered  }
0x13: {  	s23 =	simm.s32 $0x1BFF;
	s22 =	sshll.u32 s5, $0x1;
	s1 =	sadd.s32 s20, s19  }
0x14: {  	s6 =	simm.s32 $0x0;
	s21 =	sshll.u32 s4, $0x1;
	s4 =	sadd.s32 s22, s1  }
0x15: {  	[timem:s6], [sflag:s23] =	dma.local [hbm:s4], s21  }
0x16: {  	_ =	swait.ge [sflag:s23], s21  }
0x17: {  	s2 =	ssub.s32 $0x0, s21;
	[sflag:s23] =	ssyncset.done $0x0  }
0x18: {  	[sflag:s23] =	ssyncadd.s32 s2;
	_ =	sdelay $0x1  }
0x19: {  	s24 =	simm.s32 $0x1B8B  }
0x1a: {  	_ =	swait.ge [sflag:s24], $0x1  }
0x1b: {  	[sflag:s24] =	ssyncset.done $0x0  }
0x1c: {  	s26 =	simm.s32 $0x1B8E;
	s25 =	sld [smem:$0x3FFE];
	[sflag:s24] =	ssyncadd.s32 $0xFFFFFFFF  }
0x1d: {  	s27 =	simm.s32 $execute0_lowered;
	[smem:$0x3FD2] =	sst s26  }
0x1e: {  	s4 =	sshll.u32 s27, $0x1;
	_ =	strace $0x80000046;
	[dreg:$0x1] =	wrdreg $0xFFFFFFFF  }
0x1f: {  	s28 =	simm.s32 $_size_execute0_lowered;
	s1 =	sadd.s32 s1, s4;
	[dreg:$0x0] =	wrdreg $0x0  }
0x20: {  	s4 =	sshll.u32 s28, $0x1;
	[dreg:$0x2] =	wrdreg s1  }
0x21: {  	[dreg:$0x3] =	wrdreg s4  }
0x22: {  	[dreg:$0x4] =	wrdreg $0xC0  }
0x23: {  	_ =	task [dreg:s6], $0x5FFFF  }
0x24: {  	[dreg:$0x1] =	wrdreg $0xFFFFFFFF  }
0x25: {  	[dreg:$0x0] =	wrdreg $0x60  }
0x26: {  	[dreg:$0x2] =	wrdreg s25  }
0x27: {  	[dreg:$0x3] =	wrdreg $0x9  }
0x28: {  	_ =	task.clear_ibuf [dreg:s6], $0x4FFFF;
	_ =	strace $0x90000046  }
0x29: {  	s29 =	simm.s32 $0x9;
	_ =	strace $0x80000048  }
0x2a: {  	_ =	swait.ge [sflag:s29], $0x1  }
0x2b: {  	[sflag:s29] =	ssyncadd.s32 $0xFFFFFFFF  }
0x2c: {  	_ =	strace $0x90000048  }
0x2d: {  	_ =	sfence  }
0x2e: {  	s30 =	sld [smem:$0x0];
	_ =	sdelay $0x2  }
0x2f: {  	s31 =	sshll.u32 s3, $0xD;
	s3 =	sshrl.u32 s3, $0x2  }
0x30: {  	s2 =	sand.u32 $0x4000, s31;
	s1 =	sadd.s32 s3, s30  }
0x31: {  	s0 =	sor.u32 s2, s0;
	s1 =	sshll.u32 s1, $0x11  }
0x32: {  	s0 =	sor.u32 s1, s0  }
0x33: {  	s0 =	sadd.s32 $0x8F2B, s0  }
0x34: {  	[sflag:s0] =	ssyncadd.remote.s32 $0x1  }
0x35: {  	_ =	sfence.sel $0xFFFF  }
0x36: {  	[dreg:$0x0] =	wrdreg $0xFFFFFFFF;
	(pc) =	sbr.abs _section_cstart, $3  }
0x37: {  	[dreg:$0x1] =	wrdreg $0xFFFFFFFF  }
0x38: {  	_ =	task.clear_ibuf [dreg:s6], $0x2FFFF;
	_ =	strace $0x9FFFFFFF  }
0x39: {  	(tm) =	ssettm $0x7FFFFFFF  }
tec
execute0_lowered:
.L_overlay_start_1:
0x0: {  	(tag) =	ssettag $0x1  }
0x1: {  	s0 =	srdreg.scid  }
0x2: {  	s5 =	rddreg [dreg:$0x0];
	s1 =	sshll.u32 s0, $0x4  }
0x3: {  	s4 =	simm.s32 $0x1;
	s0 =	stileid.u32;
	s1 =	sand.u32 $0x10, s1  }
0x4: {  	s8 =	simm.s32 $0x2;
	s12 =	simm.s32 $0x0;
	s2 =	sor.u32 s0, s1  }
0x5: {  	s11 =	simm.s32 $0x0;
	s9 =	simm.s32 $0x0;
	s2 =	sshll.u32 s2, $0x7  }
0x6: {  	s10 =	simm.s32 $0x0;
	s3 =	sadd.s32 $0x600, s5;
	s6 =	ssub.s32 $0x32000, s2  }
.Ltmp0:
0x7: {  	s1 =	rddreg [dreg:$0x1];
	s7 =	sand.u32 $0xF80, s6;
	(pc) =	sbr.rel .LBB1_1-.Ltmp0, $4  }
0x8: {  	_ =	strace $0x80000047;
	p0 =	sne.s32 s7, $0x0;
	s7 =	simm.s32 $0x1  }
0x9: {  	[sflag:s4] =	ssyncpa.u1 $0x0;
	s6 =	sshrl.u32 s6, $0xC;
	s7 =	simm.s32 @!p0 $0x0  }
0xa: {  	s5 =	sadd.s32 $0x320600, s5;
	[sflag:s8] =	ssyncpa.u1 $0x0;
	s6 =	sadd.s32 s7, s6  }
0xb: {  	s8 =	smov.u32 s2;
	p0 =	por $0x0, $0x0;
	s7 =	sadd.s32 $0x1, s6  }
.LBB1_4:
0xc: {  	s12 =	sshll.u32 s12, $0x7;
	s18 =	sshll.u32 s11, $0x3  }
0xd: {  	v5 =	vld [tilespmem:s16+$0xFFFFFFD0];
	[tilespmem:s15+$0x2040 ss:$0x81] =	vst.msk $0xffff, v4;
	s19 =	sand.u32 $0xFFFFFC00, s12;
	s18 =	sand.u32 $0xFFFFFC00, s18  }
0xe: {  	v58 =	vld [tilespmem:s16+$0xFFFFFFE0];
	[tilespmem:s15+$0x2850 ss:$0x81] =	vst.msk $0xffff, v3;
	s12 =	sand.u32 $0x380, s12;
	s18 =	sadd.s32 s18, s19  }
0xf: {  	s17 =	sshra.s32 s17, $0x2;
	v59 =	vld [tilespmem:s16+$0xFFFFFFF0];
	[tilespmem:s15+$0x3060 ss:$0x81] =	vst.msk $0xffff, v2;
	s12 =	sor.u32 s12, s18  }
0x10: {  	v60 =	vld [tilespmem:s16+$0x0];
	[tilespmem:s15+$0x0 ss:$0x81] =	vst.msk $0xffff, v0;
	s14 =	sadd.s32 s17, s14;
	s12 =	sshrl.u32 s12, $0x7  }
0x11: {  	v61 =	vld [tilespmem:s16+$0x10];
	[tilespmem:s14+$0x3870 ss:$0x81] =	vst.msk $0xffff, v1;
	s28 =	smulhi.u32 $0x147AE15, s12  }
0x12: {  	v62 =	vld [tilespmem:s16+$0x20];
	[tilespmem:s14+$0x810 ss:$0x81] =	vst.msk $0xffff, v5  }
0x13: {  	v63 =	vld [tilespmem:s16+$0xFFFFFFC0];
	[tilespmem:s14+$0x1020 ss:$0x81] =	vst.msk $0xffff, v58;
	s15 =	sshrl.u32 s28, $0xA  }
0x14: {  	[tilespmem:s14+$0x1830 ss:$0x81] =	vst.msk $0xffff, v59;
	s15 =	smul.u32 $0x32000, s15  }
0x15: {  	s29 =	sshrl.u32 s11, $0x3;
	[tilespmem:s14+$0x2040 ss:$0x81] =	vst.msk $0xffff, v60  }
0x16: {  	s30 =	sand.u32 $0xF, s29;
	[tilespmem:s14+$0x2850 ss:$0x81] =	vst.msk $0xffff, v61;
	s12 =	ssub.s32 s12, s15  }
0x17: {  	[tilespmem:s14+$0x3060 ss:$0x81] =	vst.msk $0xffff, v62;
	s15 =	sadd.s32 s5, s30;
	s12 =	sshll.u32 s12, $0x4  }
0x18: {  	s31 =	sand.u32 $0x7, s11;
	[tilespmem:s14+$0x0 ss:$0x81] =	vst.msk $0xffff, v63;
	s12 =	sadd.s32 s12, s15  }
0x19: {  	[hbm4b:s12+s31] =	stream.linear.scatter [tilespmem:s13], [sflag:$0x2], $0x4000, $0x20;
	[tilespmem:$0x10100] =	vst v63  }
.LBB1_5:
0x1a: {  	s13 =	sadd.s32 $0x1000, s8  }
0x1b: {  	s11 =	sadd.s32 $0x80, s9;
	s15 =	smov.u32 s9;
	p2 =	sgt.s32 s13, $0x31FFF  }
0x1c: {  	s15 =	smov.u32 @p2 s11  }
0x1d: {  	s13 =	smov.u32 @p2 s2;
	p2 =	sgt.s32 s15, $0x7F  }
0x1e: {  	s15 =	simm.s32 @p2 $0x0;
	p2 =	sne.s32 s10, s7  }
.Ltmp1:
0x1f: {  	p1 =	slt.u32 s10, $0x2;
	(pc) =	sbr.rel @!p2 .LBB1_6-.Ltmp1, $4  }
0x20: {  	s14 =	simm.s32 @!p1 $0x2  }
0x21: {  	s12 =	smov.u32 s8;
	p0 =	por !p0, !p0;
	_ =	swait.ge @!p1 [sflag:s14], $0x4000  }
0x22: {  	s11 =	smov.u32 s9;
	[sflag:s14] =	ssyncset.done @!p1 $0x0;
	s8 =	smov.u32 s13  }
0x23: {  	s10 =	sadd.s32 $0x1, s10;
	[sflag:s14] =	ssyncadd.s32 @!p1 $0xFFFFC000;
	s9 =	smov.u32 s15  }
.LBB1_1:
0x24: {  	p1 =	sge.u32 s10, s6  }
0x25: {  	s13 =	sshrl.u32 @!p1 s9, $0x3  }
0x26: {  	s14 =	sshll.u32 @!p1 s8, $0x3;
	s15 =	sshll.u32 @!p1 s9, $0x7;
	s13 =	smul.u32 @!p1 $0x190000, s13  }
0x27: {  	s16 =	sand.u32 @!p1 $0x7F, s8;
	s14 =	sand.u32 @!p1 $0xFFFFFC00, s14;
	s15 =	sand.u32 @!p1 $0x380, s15  }
0x28: {  	s13 =	sadd.s32 @!p1 s13, s14;
	s14 =	sor.u32 @!p1 s16, s15  }
0x29: {  	s14 =	sor.u32 @!p1 s13, s14  }
0x2a: {  	s15 =	smulhi.u32 @!p1 $0x51EB851F, s14;
	_ =	sdelay $0x1  }
0x2b: {  	s13 =	smulhi.u32 @!p1 $0x51EB851F, s13;
	s15 =	sshrl.u32 @!p1 s15, $0x10  }
0x2c: {  	s15 =	smul.u32 @!p1 $0x32000, s15  }
0x2d: {  	s31 =	sadd.s32 $0xFFFFFFFF, s10;
	s16 =	sxor.u32 @!p1 $0xFFFFFFFF, s10;
	s13 =	sshrl.u32 @!p1 s13, $0x10  }
0x2e: {  	s16 =	sshll.u32 @!p1 s16, $0xE;
	s13 =	sand.u32 @!p1 $0x7F, s13;
	s14 =	ssub.s32 @!p1 s14, s15  }
0x2f: {  	s13 =	smul.u32 @!p1 $0x6400, s13;
	s15 =	sshrl.u32 @!p1 s14, $0x3;
	s14 =	sand.u32 @!p1 $0x7, s14  }
0x30: {  	s16 =	sand.u32 @!p1 $0x4000, s16;
	s15 =	sadd.s32 @!p1 s3, s15;
	s14 =	sshll.u32 @!p1 s14, $0x12  }
0x31: {  	s13 =	sadd.s32 @!p1 s13, s15;
	s14 =	sor.u32 @!p1 $0x400, s14;
	s15 =	simm.s32 @!p1 $0x190000  }
0x32: {  	[tilespmem:s16], [sflag:$0x1] =	stream.strided.gather @!p1 [hbm4b:s13+s14], $0x4000, s15, s14, $0x38;
	[tilespmem:$0x10100] =	vst v63  }
0x33: {  	p1 =	sge.u32 s31, s6  }
.Ltmp2:
0x34: {  	_ = 	snop;
	(pc) =	sbr.rel @p1 .LBB1_5-.Ltmp2, $1  }
0x35: {  	_ =	sdelay $0x3  }
0x36: {  	s13 =	simm.s32 $0x1  }
0x37: {  	_ =	swait.ge [sflag:s4], $0x4000;
	s13 =	simm.s32 @!p0 $0x0  }
0x38: {  	[sflag:s4] =	ssyncset.done $0x0;
	s14 =	sshll.u32 s13, $0xE  }
0x39: {  	[sflag:s4] =	ssyncadd.s32 $0xFFFFC000;
	s16 =	sor.u32 $0x40, s14  }
0x3a: {  	s13 =	smul.u32 $0x10200, s13;
	v0 =	vld [tilespmem:s16+$0x30]  }
0x3b: {  	v1 =	vld [tilespmem:s16+$0xFFFFFFD0]  }
0x3c: {  	s13 =	sshrl.u32 s13, $0x2;
	v5 =	vld [tilespmem:s16+$0xFFFFFFE0]  }
0x3d: {  	v6 =	vld [tilespmem:s16+$0xFFFFFFF0];
	s14 =	sor.u32 $0x8000, s13  }
0x3e: {  	s31 =	sand.u32 $0x1, s10;
	v4 =	vld [tilespmem:s16+$0x0];
	s15 =	sadd.s32 $0x0, s14  }
0x3f: {  	v3 =	vld [tilespmem:s16+$0x10];
	s13 =	smul.u32 $0x10200, s31;
	[tilespmem:s15+$0x3870 ss:$0x81] =	vst.msk $0xffff, v0  }
0x40: {  	v2 =	vld [tilespmem:s16+$0x20];
	[tilespmem:s15+$0x810 ss:$0x81] =	vst.msk $0xffff, v1  }
0x41: {  	s13 =	sshrl.u32 s13, $0x2;
	v0 =	vld [tilespmem:s16+$0xFFFFFFC0];
	[tilespmem:s15+$0x1020 ss:$0x81] =	vst.msk $0xffff, v5;
	s16 =	sadd.s32 $0x80, s16  }
0x42: {  	s17 =	simm.s32 $0x4;
	s18 =	simm.s32 $0x8;
	s13 =	sor.u32 $0x8000, s13;
	[tilespmem:s15+$0x1830 ss:$0x81] =	vst.msk $0xffff, v6;
	v1 =	vld [tilespmem:s16+$0x30]  }
.LBB1_3:
0x43: {  	p1 =	sne.s32 s18, $0x1FC;
	v5 =	vld [tilespmem:s16+$0xFFFFFFD0];
	[tilespmem:s15+$0x2040 ss:$0x81] =	vst.msk $0xffff, v4  }
0x44: {  	v6 =	vld [tilespmem:s16+$0xFFFFFFE0];
	[tilespmem:s15+$0x2850 ss:$0x81] =	vst.msk $0xffff, v3  }
0x45: {  	s19 =	sshra.s32 s17, $0x2;
	s17 =	smov.u32 s18;
	v7 =	vld [tilespmem:s16+$0xFFFFFFF0];
	[tilespmem:s15+$0x3060 ss:$0x81] =	vst.msk $0xffff, v2  }
.Ltmp3:
0x46: {  	v4 =	vld [tilespmem:s16+$0x0];
	[tilespmem:s15+$0x0 ss:$0x81] =	vst.msk $0xffff, v0;
	s15 =	sadd.s32 s19, s14;
	(pc) =	sbr.rel @p1 .LBB1_3-.Ltmp3, $4  }
0x47: {  	v3 =	vld [tilespmem:s16+$0x10];
	[tilespmem:s15+$0x3870 ss:$0x81] =	vst.msk $0xffff, v1  }
0x48: {  	[tilespmem:s15+$0x810 ss:$0x81] =	vst.msk $0xffff, v5;
	v2 =	vld [tilespmem:s16+$0x20]  }
0x49: {  	v0 =	vld [tilespmem:s16+$0xFFFFFFC0];
	[tilespmem:s15+$0x1020 ss:$0x81] =	vst.msk $0xffff, v6;
	s16 =	sadd.s32 $0x80, s16  }
0x4a: {  	s18 =	sadd.s32 $0x4, s18;
	v1 =	vld [tilespmem:s16+$0x30];
	[tilespmem:s15+$0x1830 ss:$0x81] =	vst.msk $0xffff, v7  }
.Ltmp4:
0x4b: {  	_ = 	snop;
	(pc) =	sbr.rel .LBB1_4-.Ltmp4, $1  }
0x4c: {  	_ =	sdelay $0x3  }
.LBB1_6:
0x4d: {  	_ =	sfence.sel $0x180000  }
0x4e: {  	s2 =	simm.s32 $0x1;
	[bflag:$0x0] =	sbarrier.arrive $0xFFFF  }
0x4f: {  	s31 =	simm.s32 $0x2;
	[sflag:s2] =	ssyncpa.u1 $0x1  }
0x50: {  	[sflag:s31] =	ssyncpa.u1 $0x1  }
0x51: {  	p0 =	sne.s32 s0, $0x0;
	_ =	strace $0x90000047  }
0x52: {  	s0 =	sadd.s32 @!p0 $0x100000, s1;
	[bflag:$0x2] =	sbarrier.arrive $0xFFFF  }
0x53: {  	[sflag:s0] =	ssyncadd.tile.s32 @!p0 $0x1;
	_ =	shalt  }
.Lfunc_end1:
_tile_overlayer_lowered:
.L_overlay_start_2:
0x54: {  	(tag) =	ssettag $0x2  }
0x55: {  	s0 =	rddreg [dreg:$0x0];
	s2 =	stileid.u32  }
0x56: {  	s1 =	rddreg [dreg:$0x1];
	p0 =	sne.s32 s2, $0x0  }
0x57: {  	s3 =	rddreg [dreg:$0x2];
	[bflag:$0x3] =	sbarrier.arrive $0xFFFF;
	s2 =	simm.s32 @!p0 $0x1C01  }
0x58: {  	[timem:s3], [sflag:s2] =	dma.local @!p0 [hbm:s0], s1  }
0x59: {  	s0 =	simm.s32 @!p0 $0x1  }
0x5a: {  	_ =	swait.ge @!p0 [sflag:s0], s1  }
0x5b: {  	s1 =	ssub.s32 @!p0 $0x0, s1;
	[sflag:s0] =	ssyncset.done @!p0 $0x0  }
0x5c: {  	[sflag:s0] =	ssyncadd.s32 @!p0 s1  }
0x5d: {  	[bflag:$0x3] =	sbarrier.arrive $0xFFFF  }
0x5e: {  	_ =	shalt  }

// kernel: sparse-core-data-format-call.cloned.1.call-start
scs
called_computation_lowered:
.L_overlay_start_0:
0x0: {  	s2 =	sld [smem:$0x3FD9]  }
0x1: {  	s3 =	sld [smem:$0x3FFE];
	_ =	sdelay $0x1  }
0x2: {  	s1 =	srdreg.scid  }
0x3: {  	s0 =	sand.u32 $0x1, s1  }
0x4: {  	s18 =	sshll.u32 s0, $0xA;
	s2 =	sadd.s32 s3, s2  }
0x5: {  	s2 =	sadd.s32 s2, s18  }
0x6: {  	[smem:$0x3FC7] =	sst s2  }
0x7: {  	_ = 	snop  }
0x8: {  	s2 =	sld [smem:$0x3FD0];
	(tm) =	ssettm $0x1  }
0x9: {  	s19 =	sld [smem:$0x3FFB];
	_ =	sdelay $0x3  }
0xa: {  	_ =	strace s19  }
0xb: {  	s3 =	sld [smem:$0x3FFC];
	_ =	sdelay $0x3  }
0xc: {  	_ =	strace s3  }
0xd: {  	s3 =	sld [smem:$0x3FFD];
	_ =	sdelay $0x3  }
0xe: {  	_ =	strace s3  }
0xf: {  	_ =	strace $0x8FFFFFFF  }
0x10: {  	s20 =	sld [smem:$0x3FDB];
	_ =	sdelay $0x1  }
0x11: {  	s4 =	simm.s32 $_scs_section_size  }
0x12: {  	s5 =	simm.s32 $_size__tile_overlayer_lowered;
	s6 =	simm.s32 $_tile_overlayer_lowered  }
0x13: {  	s23 =	simm.s32 $0x1BFF;
	s22 =	sshll.u32 s6, $0x1;
	s3 =	sadd.s32 s4, s20  }
0x14: {  	s7 =	simm.s32 $0x0;
	s21 =	sshll.u32 s5, $0x1;
	s5 =	sadd.s32 s22, s3  }
0x15: {  	[timem:s7], [sflag:s23] =	dma.local [hbm:s5], s21  }
0x16: {  	_ =	swait.ge [sflag:s23], s21  }
0x17: {  	s4 =	ssub.s32 $0x0, s21;
	[sflag:s23] =	ssyncset.done $0x0  }
0x18: {  	[sflag:s23] =	ssyncadd.s32 s4;
	_ =	sdelay $0x1  }
0x19: {  	s24 =	simm.s32 $0x1B8B  }
0x1a: {  	_ =	swait.ge [sflag:s24], $0x1  }
0x1b: {  	[sflag:s24] =	ssyncset.done $0x0  }
0x1c: {  	s26 =	simm.s32 $0x1B8E;
	s25 =	sld [smem:$0x3FFE];
	[sflag:s24] =	ssyncadd.s32 $0xFFFFFFFF  }
0x1d: {  	s27 =	simm.s32 $execute0_lowered;
	[smem:$0x3FD2] =	sst s26  }
0x1e: {  	s5 =	sshll.u32 s27, $0x1;
	_ =	strace $0x8000004C;
	[dreg:$0x1] =	wrdreg $0xFFFFFFFF  }
0x1f: {  	s28 =	simm.s32 $_size_execute0_lowered;
	s3 =	sadd.s32 s3, s5;
	[dreg:$0x0] =	wrdreg $0x0  }
0x20: {  	s5 =	sshll.u32 s28, $0x1;
	[dreg:$0x2] =	wrdreg s3  }
0x21: {  	[dreg:$0x3] =	wrdreg s5  }
0x22: {  	[dreg:$0x4] =	wrdreg $0xC0  }
0x23: {  	_ =	task [dreg:s7], $0x5FFFF  }
0x24: {  	[dreg:$0x1] =	wrdreg $0xFFFFFFFF  }
0x25: {  	[dreg:$0x0] =	wrdreg $0x60  }
0x26: {  	[dreg:$0x2] =	wrdreg s25  }
0x27: {  	[dreg:$0x3] =	wrdreg s2  }
0x28: {  	[dreg:$0x4] =	wrdreg $0x9  }
0x29: {  	_ =	task.clear_ibuf [dreg:s7], $0x5FFFF;
	_ =	strace $0x9000004C  }
0x2a: {  	s29 =	simm.s32 $0x9;
	_ =	strace $0x8000004E  }
0x2b: {  	_ =	swait.ge [sflag:s29], $0x1  }
0x2c: {  	[sflag:s29] =	ssyncadd.s32 $0xFFFFFFFF  }
0x2d: {  	_ =	strace $0x9000004E  }
0x2e: {  	_ =	sfence  }
0x2f: {  	s30 =	sld [smem:$0x0];
	_ =	sdelay $0x2  }
0x30: {  	s31 =	sshll.u32 s1, $0xD;
	s1 =	sshrl.u32 s1, $0x2  }
0x31: {  	s3 =	sand.u32 $0x4000, s31;
	s1 =	sadd.s32 s1, s30  }
0x32: {  	s0 =	sor.u32 s3, s0;
	s1 =	sshll.u32 s1, $0x11  }
0x33: {  	s0 =	sor.u32 s1, s0  }
0x34: {  	s0 =	sadd.s32 $0x8F2B, s0  }
0x35: {  	[sflag:s0] =	ssyncadd.remote.s32 $0x1  }
0x36: {  	_ =	sfence.sel $0xFFFF  }
0x37: {  	[dreg:$0x0] =	wrdreg $0xFFFFFFFF;
	(pc) =	sbr.abs _section_cstart, $3  }
0x38: {  	[dreg:$0x1] =	wrdreg $0xFFFFFFFF  }
0x39: {  	_ =	task.clear_ibuf [dreg:s7], $0x2FFFF;
	_ =	strace $0x9FFFFFFF  }
0x3a: {  	(tm) =	ssettm $0x7FFFFFFF  }
0x3b: {  	_ =	shalt  }
tec
execute0_lowered:
.L_overlay_start_1:
0x0: {  	(tag) =	ssettag $0x1  }
0x1: {  	s0 =	srdreg.scid  }
0x2: {  	s1 =	sshll.u32 s0, $0x4  }
0x3: {  	s0 =	stileid.u32;
	s1 =	sand.u32 $0x10, s1  }
0x4: {  	s1 =	sor.u32 s0, s1  }
0x5: {  	s6 =	rddreg [dreg:$0x0];
	s4 =	simm.s32 $0x1;
	s2 =	sshll.u32 s1, $0x6  }
0x6: {  	s7 =	simm.s32 $0x2;
	s13 =	simm.s32 $0x0;
	s1 =	ssub.s32 $0x1000, s2  }
0x7: {  	s8 =	simm.s32 $0x2000;
	s9 =	simm.s32 $0x80000;
	s3 =	sand.u32 $0x7C0, s1  }
0x8: {  	s14 =	simm.s32 $0x0;
	s5 =	sshrl.u32 s1, $0xB;
	p0 =	sne.s32 s3, $0x0  }
.Ltmp0:
0x9: {  	s1 =	rddreg [dreg:$0x2];
	s4 =	simm.s32 @!p0 $0x0;
	(pc) =	sbr.rel .LBB1_1-.Ltmp0, $4  }
0xa: {  	s10 =	simm.s32 $0x0;
	s3 =	rddreg [dreg:$0x1];
	s5 =	sadd.s32 s4, s5  }
0xb: {  	_ =	strace $0x8000004D;
	s4 =	simm.s32 $0x1;
	s5 =	smul.u32 $0x19, s5  }
0xc: {  	s12 =	simm.s32 $0x0;
	s6 =	sadd.s32 $0x320000, s6;
	[sflag:s4] =	ssyncpa.u1 $0x0  }
0xd: {  	s11 =	smov.u32 s2;
	[sflag:s7] =	ssyncpa.u1 $0x0;
	s7 =	sadd.s32 $0x1, s5  }
.LBB1_7:
0xe: {  	s15 =	sadd.s32 $0x2, s10  }
0xf: {  	s13 =	sadd.s32 $0x800, s11;
	s17 =	smov.u32 s11;
	p1 =	sgt.s32 s15, $0x31  }
0x10: {  	s17 =	smov.u32 @p1 s13  }
0x11: {  	s15 =	simm.s32 @p1 $0x0;
	p1 =	sgt.s32 s17, $0xFFF  }
0x12: {  	s17 =	smov.u32 @p1 s2;
	p1 =	sne.s32 s12, s7  }
.Ltmp1:
0x13: {  	p0 =	slt.u32 s12, $0x2;
	(pc) =	sbr.rel @!p1 .LBB1_8-.Ltmp1, $4  }
0x14: {  	s16 =	simm.s32 @!p0 $0x2  }
0x15: {  	s14 =	smov.u32 s11;
	_ =	swait.ge @!p0 [sflag:s16], $0x4000  }
0x16: {  	s13 =	smov.u32 s10;
	[sflag:s16] =	ssyncset.done @!p0 $0x0;
	s10 =	smov.u32 s15  }
0x17: {  	s12 =	sadd.s32 $0x1, s12;
	[sflag:s16] =	ssyncadd.s32 @!p0 $0xFFFFC000;
	s11 =	smov.u32 s17  }
.LBB1_1:
0x18: {  	p0 =	sge.u32 s12, s5  }
0x19: {  	s15 =	sand.u32 @!p0 $0x1FFFFFF, s10  }
0x1a: {  	s16 =	smulhi.u32 @!p0 $0x4924925, s15;
	_ =	sdelay $0x1  }
0x1b: {  	s16 =	smul.u32 @!p0 $0x38, s16  }
0x1c: {  	s17 =	sxor.u32 @!p0 $0xFFFFFFFF, s12;
	s18 =	smul.u32 @!p0 $0x380, s11  }
0x1d: {  	s31 =	sadd.s32 $0xFFFFFFFF, s12;
	s17 =	sshll.u32 @!p0 s17, $0xE;
	s15 =	ssub.s32 @!p0 s15, s16  }
0x1e: {  	s16 =	sand.u32 @!p0 $0x4000, s17;
	s17 =	sadd.s32 @!p0 s6, s18;
	s15 =	sshll.u32 @!p0 s15, $0x4  }
0x1f: {  	s18 =	simm.s32 @!p0 $0x1C00;
	s15 =	sadd.s32 @!p0 s15, s17;
	s17 =	simm.s32 @!p0 $0x100  }
0x20: {  	[tilespmem:s16], [sflag:$0x1] =	stream.strided.gather @!p0 [hbm4b:s15+s17], $0x4000, s18, s17, $0x38;
	[tilespmem:$0x10000] =	vst v63  }
0x21: {  	p0 =	sge.u32 s31, s5  }
.Ltmp2:
0x22: {  	_ = 	snop;
	(pc) =	sbr.rel @p0 .LBB1_7-.Ltmp2, $1  }
0x23: {  	_ =	sdelay $0x3  }
0x24: {  	_ =	swait.ge [sflag:s4], $0x4000;
	s15 =	sshll.u32 s12, $0xE  }
0x25: {  	[sflag:s4] =	ssyncset.done $0x0;
	s16 =	sand.u32 $0x4000, s15  }
0x26: {  	s17 =	simm.s32 $0x0;
	[sflag:s4] =	ssyncadd.s32 $0xFFFFC000;
	s15 =	sor.u32 $0x8000, s16  }
.LBB1_3:
0x27: {  	s18 =	sshll.u32 s17, $0x8  }
0x28: {  	s18 =	sand.u32 $0x3FFFFF00, s18  }
0x29: {  	s19 =	sshll.u32 s17, $0x7;
	s18 =	sadd.s32 s18, s16  }
0x2a: {  	s19 =	sand.u32 $0x3FFFFF80, s19;
	v0 =	vmov s18  }
0x2b: {  	s19 =	sadd.s32 s19, s15  }
0x2c: {  	p0 =	por $0x1, $0x1;
	v1 =	vmov s19;
	s18 =	simm.s32 $0x0  }
.LBB1_4:
0x2d: {  	s19 =	sshll.u32 s18, $0x7  }
0x2e: {  	s19 =	sand.u32 $0x3FFFFF80, s19  }
0x2f: {  	v2 =	vld.idx.msk [tilespmem:v0+s19+$0x0 ss:$0x1], $0xffff  }
0x30: {  	v3 =	vld.idx.msk [tilespmem:v0+s19+$0x10 ss:$0x1], $0xffff  }
0x31: {  	v4 =	vld.idx.msk [tilespmem:v0+s19+$0x20 ss:$0x1], $0xffff  }
0x32: {  	s31 =	sshll.u32 s18, $0xD;
	v5 =	vld.idx.msk [tilespmem:v0+s19+$0x30 ss:$0x1], $0xffff  }
0x33: {  	s18 =	sand.u32 $0x3FFFE000, s31;
	v6 =	vld.idx.msk [tilespmem:v0+s19+$0x40 ss:$0x1], $0xffff  }
0x34: {  	v63 =	vld.idx.msk [tilespmem:v0+s19+$0x70 ss:$0x1], $0xffff;
	[tilespmem:v1+s18+$0x0 ss:$0x1] =	vst.idx.msk $0xffff, v2  }
0x35: {  	v2 =	vld.idx.msk [tilespmem:v0+s19+$0x50 ss:$0x1], $0xffff;
	[tilespmem:v1+s18+$0x10 ss:$0x1] =	vst.idx.msk $0xffff, v3  }
0x36: {  	p1 =	por p0, p0;
	v3 =	vld.idx.msk [tilespmem:v0+s19+$0x60 ss:$0x1], $0xffff;
	[tilespmem:v1+s18+$0x20 ss:$0x1] =	vst.idx.msk $0xffff, v4  }
.Ltmp3:
0x37: {  	[tilespmem:v1+s18+$0x30 ss:$0x1] =	vst.idx.msk $0xffff, v5;
	(pc) =	sbr.rel @p1 .LBB1_4-.Ltmp3, $4  }
0x38: {  	[tilespmem:v1+s18+$0x40 ss:$0x1] =	vst.idx.msk $0xffff, v6  }
0x39: {  	[tilespmem:v1+s18+$0x70 ss:$0x1] =	vst.idx.msk $0xffff, v63  }
0x3a: {  	[tilespmem:v1+s18+$0x50 ss:$0x1] =	vst.idx.msk $0xffff, v2  }
0x3b: {  	p0 =	por $0x0, $0x0;
	[tilespmem:v1+s18+$0x60 ss:$0x1] =	vst.idx.msk $0xffff, v3;
	s18 =	simm.s32 $0x1  }
0x3c: {  	s17 =	sadd.s32 $0x1, s17  }
0x3d: {  	p0 =	sne.s32 s17, $0x40  }
.Ltmp4:
0x3e: {  	_ = 	snop;
	(pc) =	sbr.rel @p0 .LBB1_3-.Ltmp4, $1  }
0x3f: {  	_ =	sdelay $0x3  }
.Ltmp5:
0x40: {  	s14 =	sshll.u32 s14, $0x4;
	(pc) =	sbr.rel .LBB1_7-.Ltmp5, $4  }
0x41: {  	s14 =	sand.u32 $0xFFF0, s14  }
0x42: {  	s13 =	sshll.u32 s13, $0x10;
	s14 =	sadd.s32 s3, s14  }
0x43: {  	s13 =	sadd.s32 s13, s14  }
0x44: {  	[hbm4b:s13+s8] =	stream.strided.scatter [tilespmem:s15], [sflag:$0x2], $0x4000, s9, s8, $0x38;
	[tilespmem:$0x10000] =	vst v63  }
.LBB1_8:
0x45: {  	_ =	sfence.sel $0x180000  }
0x46: {  	s2 =	simm.s32 $0x1;
	[bflag:$0x0] =	sbarrier.arrive $0xFFFF  }
0x47: {  	s31 =	simm.s32 $0x2;
	[sflag:s2] =	ssyncpa.u1 $0x1  }
0x48: {  	[sflag:s31] =	ssyncpa.u1 $0x1  }
0x49: {  	p0 =	sne.s32 s0, $0x0;
	_ =	strace $0x9000004D  }
0x4a: {  	s0 =	sadd.s32 @!p0 $0x100000, s1;
	[bflag:$0x2] =	sbarrier.arrive $0xFFFF  }
0x4b: {  	[sflag:s0] =	ssyncadd.tile.s32 @!p0 $0x1;
	_ =	shalt  }
.Lfunc_end1:
_tile_overlayer_lowered:
.L_overlay_start_2:
0x4c: {  	(tag) =	ssettag $0x2  }
0x4d: {  	s0 =	rddreg [dreg:$0x0];
	s2 =	stileid.u32  }
0x4e: {  	s1 =	rddreg [dreg:$0x1];
	p0 =	sne.s32 s2, $0x0  }
0x4f: {  	s3 =	rddreg [dreg:$0x2];
	[bflag:$0x3] =	sbarrier.arrive $0xFFFF;
	s2 =	simm.s32 @!p0 $0x1C01  }
0x50: {  	[timem:s3], [sflag:s2] =	dma.local @!p0 [hbm:s0], s1  }
0x51: {  	s0 =	simm.s32 @!p0 $0x1  }
0x52: {  	_ =	swait.ge @!p0 [sflag:s0], s1  }
0x53: {  	s1 =	ssub.s32 @!p0 $0x0, s1;
	[sflag:s0] =	ssyncset.done @!p0 $0x0  }
0x54: {  	[sflag:s0] =	ssyncadd.s32 @!p0 s1  }
0x55: {  	[bflag:$0x3] =	sbarrier.arrive $0xFFFF  }
0x56: {  	_ =	shalt  }

</sc_bundles>
